<compile_context>
chip_gen: v7x
topology: tpu7x:2x2x1
jax: 0.10.2.dev20260603
libtpu: 0.0.44.dev20260713+nightly
codegen_flags: <defaults>
</compile_context>

<pallas_src>
import functools

import jax
import jax.numpy as jnp
from jax import lax
from jax.experimental import pallas as pl
from jax.experimental.pallas import tpu as pltpu
from jax.experimental.pallas import tpu_sc as plsc

_S = 8192
_D = 2048
_B = 4
_NC = 2
_NS = 16
_NW = _NC * _NS
_ROWS_PER_W = _S // _NW
_LENS = [56, 56, 56, 56, 32]
assert sum(_LENS) == _ROWS_PER_W
_OFFS = [sum(_LENS[:i]) for i in range(len(_LENS))]
_NCHUNK = len(_LENS)

_mesh = plsc.VectorSubcoreMesh(core_axis_name="c", subcore_axis_name="s")


@functools.partial(
    pl.kernel,
    mesh=_mesh,
    out_type=jax.ShapeDtypeStruct((_B * _S, _D), jnp.float32),
    scratch_types=[
        pltpu.VMEM((56, _D), jnp.float32),
        pltpu.SemaphoreType.DMA,
        pltpu.SemaphoreType.DMA,
    ],
)
def _bcast_rows(table_hbm, out_hbm, buf, rsem, wsem):
    wid = lax.axis_index("s") * _NC + lax.axis_index("c")
    base = wid * _ROWS_PER_W

    for i in range(_NCHUNK):
        pltpu.async_copy(
            table_hbm.at[pl.ds(base + _OFFS[i], _LENS[i])],
            buf.at[pl.ds(0, _LENS[i])],
            rsem,
        ).wait()
        whs = [
            pltpu.async_copy(
                buf.at[pl.ds(0, _LENS[i])],
                out_hbm.at[pl.ds(b * _S + base + _OFFS[i], _LENS[i])],
                wsem,
            )
            for b in range(_B)
        ]
        for c in whs:
            c.wait()


def kernel(x, table):
    del x
    out = _bcast_rows(table)
    return out.reshape(_B, _S, _D)

# --- scband reference (transcript-rebuilt; emitter-appended) ---
"""Pipeline reference for scband-positional-embedding-5248450036298 (READ-ONLY COPY).

The authoritative reference and input builder live on the scoring server;
editing this copy changes nothing except your own understanding.
"""

import jax, jax.numpy as jnp
import numpy as np

MAX_LENGTH = 8192
EMBED_DIM = 2048
INIT_SCALE = 1.0

def setup_inputs(seed: int = 0) -> dict:
    key = jax.random.key(seed)
    k1, k2 = jax.random.split(key)
    # x: token ids [B, S]; values themselves are unused by the module (only shape/dtype),
    # but we fill realistically.
    x = jax.random.randint(k1, (4, 8192), 0, MAX_LENGTH, dtype=jnp.int32)
    # Positional embedding table, truncated-normal init with fan_in=1, scale=1.0
    # std = (scale / fan_in) ** 0.5 = 1.0, truncated to [-2*scale, 2*scale]
    std = (INIT_SCALE / 1.0) ** 0.5
    table = jax.random.truncated_normal(k2, -2.0 * INIT_SCALE / std, 2.0 * INIT_SCALE / std, (MAX_LENGTH, EMBED_DIM), dtype=jnp.float32) * std
    return {"x": x, "table": table}

def reference(x, table):
    # positions = arange(S) broadcast to x's shape via multiply with ones_like(x)
    positions = jnp.arange(0, x.shape[-1], dtype=x.dtype)
    positions = positions * jnp.ones_like(x)
    # embedding lookup: gather rows of table
    embeddings = jnp.take(table, positions, axis=0)
    return embeddings

if __name__ == "__main__":
    import jax
    _d = setup_inputs()
    print(jax.jit(kernel)(*tuple(_d.values())))

</pallas_src>

<mosaic_0001>
#map = affine_map<(d0, d1) -> (0, 0)>
module attributes {stable_mosaic.version = 14 : i64} {
  func.func @_bcast_rows(%arg0: i32, %arg1: i32, %arg2: memref<8192x2048xf32, #tpu.memory_space<hbm>>, %arg3: memref<32768x2048xf32, #tpu.memory_space<hbm>>, %arg4: memref<56x2048xf32, #tpu.memory_space<vmem>>, %arg5: memref<!tpu.dma_semaphore, #tpu.memory_space<semaphore_mem>>, %arg6: memref<!tpu.dma_semaphore, #tpu.memory_space<semaphore_mem>>) attributes {dimension_semantics = [#tpu.dimension_semantics<core_parallel>, #tpu.dimension_semantics<subcore_parallel>], iteration_bounds = array<i64: 2, 16>, scalar_prefetch = 0 : i64, scratch_operands = 3 : i64, tpu.core_type = #tpu.core_type<sc_vector_subcore>, window_params = [{transform_indices = #map}, {transform_indices = #map}]} {
    %mul3A = arith.constant 2 : i32
    %mul3A_0 = arith.muli %arg1, %mul3A : i32
    %add3A = arith.addi %mul3A_0, %arg0 : i32
    %mul3A_1 = arith.constant 256 : i32
    %mul3A_2 = arith.muli %add3A, %mul3A_1 : i32
    %add3A_3 = arith.constant 0 : i32
    %add3A_4 = arith.addi %mul3A_2, %add3A_3 : i32
    %dma_start3A = arith.constant 0 : i32
    %dma_start3A_5 = arith.constant 0 : i32
    %dma_start3A_6 = tpu.memref_slice %arg4[%dma_start3A, %dma_start3A_5] : memref<56x2048xf32, #tpu.memory_space<vmem>> -> memref<56x2048xf32, #tpu.memory_space<vmem>>
    %dma_start3A_7 = arith.constant 0 : i32
    %dma_start3A_8 = tpu.memref_slice %arg2[%add3A_4, %dma_start3A_7] : memref<8192x2048xf32, #tpu.memory_space<hbm>> -> memref<56x2048xf32, #tpu.memory_space<hbm>>
    %dma_start3A_9 = arith.constant 0 : i32
    %dma_start3A_10 = arith.constant 0 : i32
    %dma_start3A_11 = tpu.memref_slice %arg4[%dma_start3A_9, %dma_start3A_10] : memref<56x2048xf32, #tpu.memory_space<vmem>> -> memref<56x2048xf32, #tpu.memory_space<vmem>>
    %dma_start3A_12 = arith.constant 0 : i32
    %dma_start3A_13 = tpu.memref_slice %arg2[%add3A_4, %dma_start3A_12] : memref<8192x2048xf32, #tpu.memory_space<hbm>> -> memref<56x2048xf32, #tpu.memory_space<hbm>>
    tpu.enqueue_dma source(%dma_start3A_13 : memref<56x2048xf32, #tpu.memory_space<hbm>>) target(%dma_start3A_11 : memref<56x2048xf32, #tpu.memory_space<vmem>>) target_semaphore(%arg5 : memref<!tpu.dma_semaphore, #tpu.memory_space<semaphore_mem>>)
    %dma_wait3A = arith.constant 0 : i32
    %dma_wait3A_14 = arith.constant 0 : i32
    %dma_wait3A_15 = tpu.memref_slice %arg4[%dma_wait3A, %dma_wait3A_14] : memref<56x2048xf32, #tpu.memory_space<vmem>> -> memref<56x2048xf32, #tpu.memory_space<vmem>>
    %dma_wait3A_16 = arith.constant 0 : i32
    %dma_wait3A_17 = tpu.memref_slice %arg2[%add3A_4, %dma_wait3A_16] : memref<8192x2048xf32, #tpu.memory_space<hbm>> -> memref<56x2048xf32, #tpu.memory_space<hbm>>
    %dma_wait3A_18 = arith.constant 0 : i32
    %dma_wait3A_19 = arith.constant 0 : i32
    %dma_wait3A_20 = tpu.memref_slice %arg4[%dma_wait3A_18, %dma_wait3A_19] : memref<56x2048xf32, #tpu.memory_space<vmem>> -> memref<56x2048xf32, #tpu.memory_space<vmem>>
    %dma_wait3A_21 = arith.constant 0 : i32
    %dma_wait3A_22 = tpu.memref_slice %arg2[%add3A_4, %dma_wait3A_21] : memref<8192x2048xf32, #tpu.memory_space<hbm>> -> memref<56x2048xf32, #tpu.memory_space<hbm>>
    tpu.wait_dma2 semaphore(%arg5 : memref<!tpu.dma_semaphore, #tpu.memory_space<semaphore_mem>>) src(%dma_wait3A_22 : memref<56x2048xf32, #tpu.memory_space<hbm>>) dst(%dma_wait3A_20 : memref<56x2048xf32, #tpu.memory_space<vmem>>)
    %add3A_23 = arith.constant 0 : i32
    %add3A_24 = arith.addi %add3A_23, %mul3A_2 : i32
    %add3A_25 = arith.constant 0 : i32
    %add3A_26 = arith.addi %add3A_24, %add3A_25 : i32
    %dma_start3A_27 = arith.constant 0 : i32
    %dma_start3A_28 = arith.constant 0 : i32
    %dma_start3A_29 = tpu.memref_slice %arg4[%dma_start3A_27, %dma_start3A_28] : memref<56x2048xf32, #tpu.memory_space<vmem>> -> memref<56x2048xf32, #tpu.memory_space<vmem>>
    %dma_start3A_30 = arith.constant 0 : i32
    %dma_start3A_31 = tpu.memref_slice %arg3[%add3A_26, %dma_start3A_30] : memref<32768x2048xf32, #tpu.memory_space<hbm>> -> memref<56x2048xf32, #tpu.memory_space<hbm>>
    %dma_start3A_32 = arith.constant 0 : i32
    %dma_start3A_33 = tpu.memref_slice %arg3[%add3A_26, %dma_start3A_32] : memref<32768x2048xf32, #tpu.memory_space<hbm>> -> memref<56x2048xf32, #tpu.memory_space<hbm>>
    %dma_start3A_34 = arith.constant 0 : i32
    %dma_start3A_35 = arith.constant 0 : i32
    %dma_start3A_36 = tpu.memref_slice %arg4[%dma_start3A_34, %dma_start3A_35] : memref<56x2048xf32, #tpu.memory_space<vmem>> -> memref<56x2048xf32, #tpu.memory_space<vmem>>
    tpu.enqueue_dma source(%dma_start3A_36 : memref<56x2048xf32, #tpu.memory_space<vmem>>) target(%dma_start3A_33 : memref<56x2048xf32, #tpu.memory_space<hbm>>) target_semaphore(%arg6 : memref<!tpu.dma_semaphore, #tpu.memory_space<semaphore_mem>>)
    %add3A_37 = arith.constant 8192 : i32
    %add3A_38 = arith.addi %add3A_37, %mul3A_2 : i32
    %add3A_39 = arith.constant 0 : i32
    %add3A_40 = arith.addi %add3A_38, %add3A_39 : i32
    %dma_start3A_41 = arith.constant 0 : i32
    %dma_start3A_42 = arith.constant 0 : i32
    %dma_start3A_43 = tpu.memref_slice %arg4[%dma_start3A_41, %dma_start3A_42] : memref<56x2048xf32, #tpu.memory_space<vmem>> -> memref<56x2048xf32, #tpu.memory_space<vmem>>
    %dma_start3A_44 = arith.constant 0 : i32
    %dma_start3A_45 = tpu.memref_slice %arg3[%add3A_40, %dma_start3A_44] : memref<32768x2048xf32, #tpu.memory_space<hbm>> -> memref<56x2048xf32, #tpu.memory_space<hbm>>
    %dma_start3A_46 = arith.constant 0 : i32
    %dma_start3A_47 = tpu.memref_slice %arg3[%add3A_40, %dma_start3A_46] : memref<32768x2048xf32, #tpu.memory_space<hbm>> -> memref<56x2048xf32, #tpu.memory_space<hbm>>
    %dma_start3A_48 = arith.constant 0 : i32
    %dma_start3A_49 = arith.constant 0 : i32
    %dma_start3A_50 = tpu.memref_slice %arg4[%dma_start3A_48, %dma_start3A_49] : memref<56x2048xf32, #tpu.memory_space<vmem>> -> memref<56x2048xf32, #tpu.memory_space<vmem>>
    tpu.enqueue_dma source(%dma_start3A_50 : memref<56x2048xf32, #tpu.memory_space<vmem>>) target(%dma_start3A_47 : memref<56x2048xf32, #tpu.memory_space<hbm>>) target_semaphore(%arg6 : memref<!tpu.dma_semaphore, #tpu.memory_space<semaphore_mem>>)
    %add3A_51 = arith.constant 16384 : i32
    %add3A_52 = arith.addi %add3A_51, %mul3A_2 : i32
    %add3A_53 = arith.constant 0 : i32
    %add3A_54 = arith.addi %add3A_52, %add3A_53 : i32
    %dma_start3A_55 = arith.constant 0 : i32
    %dma_start3A_56 = arith.constant 0 : i32
    %dma_start3A_57 = tpu.memref_slice %arg4[%dma_start3A_55, %dma_start3A_56] : memref<56x2048xf32, #tpu.memory_space<vmem>> -> memref<56x2048xf32, #tpu.memory_space<vmem>>
    %dma_start3A_58 = arith.constant 0 : i32
    %dma_start3A_59 = tpu.memref_slice %arg3[%add3A_54, %dma_start3A_58] : memref<32768x2048xf32, #tpu.memory_space<hbm>> -> memref<56x2048xf32, #tpu.memory_space<hbm>>
    %dma_start3A_60 = arith.constant 0 : i32
    %dma_start3A_61 = tpu.memref_slice %arg3[%add3A_54, %dma_start3A_60] : memref<32768x2048xf32, #tpu.memory_space<hbm>> -> memref<56x2048xf32, #tpu.memory_space<hbm>>
    %dma_start3A_62 = arith.constant 0 : i32
    %dma_start3A_63 = arith.constant 0 : i32
    %dma_start3A_64 = tpu.memref_slice %arg4[%dma_start3A_62, %dma_start3A_63] : memref<56x2048xf32, #tpu.memory_space<vmem>> -> memref<56x2048xf32, #tpu.memory_space<vmem>>
    tpu.enqueue_dma source(%dma_start3A_64 : memref<56x2048xf32, #tpu.memory_space<vmem>>) target(%dma_start3A_61 : memref<56x2048xf32, #tpu.memory_space<hbm>>) target_semaphore(%arg6 : memref<!tpu.dma_semaphore, #tpu.memory_space<semaphore_mem>>)
    %add3A_65 = arith.constant 24576 : i32
    %add3A_66 = arith.addi %add3A_65, %mul3A_2 : i32
    %add3A_67 = arith.constant 0 : i32
    %add3A_68 = arith.addi %add3A_66, %add3A_67 : i32
    %dma_start3A_69 = arith.constant 0 : i32
    %dma_start3A_70 = arith.constant 0 : i32
    %dma_start3A_71 = tpu.memref_slice %arg4[%dma_start3A_69, %dma_start3A_70] : memref<56x2048xf32, #tpu.memory_space<vmem>> -> memref<56x2048xf32, #tpu.memory_space<vmem>>
    %dma_start3A_72 = arith.constant 0 : i32
    %dma_start3A_73 = tpu.memref_slice %arg3[%add3A_68, %dma_start3A_72] : memref<32768x2048xf32, #tpu.memory_space<hbm>> -> memref<56x2048xf32, #tpu.memory_space<hbm>>
    %dma_start3A_74 = arith.constant 0 : i32
    %dma_start3A_75 = tpu.memref_slice %arg3[%add3A_68, %dma_start3A_74] : memref<32768x2048xf32, #tpu.memory_space<hbm>> -> memref<56x2048xf32, #tpu.memory_space<hbm>>
    %dma_start3A_76 = arith.constant 0 : i32
    %dma_start3A_77 = arith.constant 0 : i32
    %dma_start3A_78 = tpu.memref_slice %arg4[%dma_start3A_76, %dma_start3A_77] : memref<56x2048xf32, #tpu.memory_space<vmem>> -> memref<56x2048xf32, #tpu.memory_space<vmem>>
    tpu.enqueue_dma source(%dma_start3A_78 : memref<56x2048xf32, #tpu.memory_space<vmem>>) target(%dma_start3A_75 : memref<56x2048xf32, #tpu.memory_space<hbm>>) target_semaphore(%arg6 : memref<!tpu.dma_semaphore, #tpu.memory_space<semaphore_mem>>)
    %dma_wait3A_79 = arith.constant 0 : i32
    %dma_wait3A_80 = arith.constant 0 : i32
    %dma_wait3A_81 = tpu.memref_slice %arg4[%dma_wait3A_79, %dma_wait3A_80] : memref<56x2048xf32, #tpu.memory_space<vmem>> -> memref<56x2048xf32, #tpu.memory_space<vmem>>
    %dma_wait3A_82 = arith.constant 0 : i32
    %dma_wait3A_83 = tpu.memref_slice %arg3[%add3A_26, %dma_wait3A_82] : memref<32768x2048xf32, #tpu.memory_space<hbm>> -> memref<56x2048xf32, #tpu.memory_space<hbm>>
    %dma_wait3A_84 = arith.constant 0 : i32
    %dma_wait3A_85 = tpu.memref_slice %arg3[%add3A_26, %dma_wait3A_84] : memref<32768x2048xf32, #tpu.memory_space<hbm>> -> memref<56x2048xf32, #tpu.memory_space<hbm>>
    %dma_wait3A_86 = arith.constant 0 : i32
    %dma_wait3A_87 = arith.constant 0 : i32
    %dma_wait3A_88 = tpu.memref_slice %arg4[%dma_wait3A_86, %dma_wait3A_87] : memref<56x2048xf32, #tpu.memory_space<vmem>> -> memref<56x2048xf32, #tpu.memory_space<vmem>>
    tpu.wait_dma2 semaphore(%arg6 : memref<!tpu.dma_semaphore, #tpu.memory_space<semaphore_mem>>) src(%dma_wait3A_88 : memref<56x2048xf32, #tpu.memory_space<vmem>>) dst(%dma_wait3A_85 : memref<56x2048xf32, #tpu.memory_space<hbm>>)
    %dma_wait3A_89 = arith.constant 0 : i32
    %dma_wait3A_90 = arith.constant 0 : i32
    %dma_wait3A_91 = tpu.memref_slice %arg4[%dma_wait3A_89, %dma_wait3A_90] : memref<56x2048xf32, #tpu.memory_space<vmem>> -> memref<56x2048xf32, #tpu.memory_space<vmem>>
    %dma_wait3A_92 = arith.constant 0 : i32
    %dma_wait3A_93 = tpu.memref_slice %arg3[%add3A_40, %dma_wait3A_92] : memref<32768x2048xf32, #tpu.memory_space<hbm>> -> memref<56x2048xf32, #tpu.memory_space<hbm>>
    %dma_wait3A_94 = arith.constant 0 : i32
    %dma_wait3A_95 = tpu.memref_slice %arg3[%add3A_40, %dma_wait3A_94] : memref<32768x2048xf32, #tpu.memory_space<hbm>> -> memref<56x2048xf32, #tpu.memory_space<hbm>>
    %dma_wait3A_96 = arith.constant 0 : i32
    %dma_wait3A_97 = arith.constant 0 : i32
    %dma_wait3A_98 = tpu.memref_slice %arg4[%dma_wait3A_96, %dma_wait3A_97] : memref<56x2048xf32, #tpu.memory_space<vmem>> -> memref<56x2048xf32, #tpu.memory_space<vmem>>
    tpu.wait_dma2 semaphore(%arg6 : memref<!tpu.dma_semaphore, #tpu.memory_space<semaphore_mem>>) src(%dma_wait3A_98 : memref<56x2048xf32, #tpu.memory_space<vmem>>) dst(%dma_wait3A_95 : memref<56x2048xf32, #tpu.memory_space<hbm>>)
    %dma_wait3A_99 = arith.constant 0 : i32
    %dma_wait3A_100 = arith.constant 0 : i32
    %dma_wait3A_101 = tpu.memref_slice %arg4[%dma_wait3A_99, %dma_wait3A_100] : memref<56x2048xf32, #tpu.memory_space<vmem>> -> memref<56x2048xf32, #tpu.memory_space<vmem>>
    %dma_wait3A_102 = arith.constant 0 : i32
    %dma_wait3A_103 = tpu.memref_slice %arg3[%add3A_54, %dma_wait3A_102] : memref<32768x2048xf32, #tpu.memory_space<hbm>> -> memref<56x2048xf32, #tpu.memory_space<hbm>>
    %dma_wait3A_104 = arith.constant 0 : i32
    %dma_wait3A_105 = tpu.memref_slice %arg3[%add3A_54, %dma_wait3A_104] : memref<32768x2048xf32, #tpu.memory_space<hbm>> -> memref<56x2048xf32, #tpu.memory_space<hbm>>
    %dma_wait3A_106 = arith.constant 0 : i32
    %dma_wait3A_107 = arith.constant 0 : i32
    %dma_wait3A_108 = tpu.memref_slice %arg4[%dma_wait3A_106, %dma_wait3A_107] : memref<56x2048xf32, #tpu.memory_space<vmem>> -> memref<56x2048xf32, #tpu.memory_space<vmem>>
    tpu.wait_dma2 semaphore(%arg6 : memref<!tpu.dma_semaphore, #tpu.memory_space<semaphore_mem>>) src(%dma_wait3A_108 : memref<56x2048xf32, #tpu.memory_space<vmem>>) dst(%dma_wait3A_105 : memref<56x2048xf32, #tpu.memory_space<hbm>>)
    %dma_wait3A_109 = arith.constant 0 : i32
    %dma_wait3A_110 = arith.constant 0 : i32
    %dma_wait3A_111 = tpu.memref_slice %arg4[%dma_wait3A_109, %dma_wait3A_110] : memref<56x2048xf32, #tpu.memory_space<vmem>> -> memref<56x2048xf32, #tpu.memory_space<vmem>>
    %dma_wait3A_112 = arith.constant 0 : i32
    %dma_wait3A_113 = tpu.memref_slice %arg3[%add3A_68, %dma_wait3A_112] : memref<32768x2048xf32, #tpu.memory_space<hbm>> -> memref<56x2048xf32, #tpu.memory_space<hbm>>
    %dma_wait3A_114 = arith.constant 0 : i32
    %dma_wait3A_115 = tpu.memref_slice %arg3[%add3A_68, %dma_wait3A_114] : memref<32768x2048xf32, #tpu.memory_space<hbm>> -> memref<56x2048xf32, #tpu.memory_space<hbm>>
    %dma_wait3A_116 = arith.constant 0 : i32
    %dma_wait3A_117 = arith.constant 0 : i32
    %dma_wait3A_118 = tpu.memref_slice %arg4[%dma_wait3A_116, %dma_wait3A_117] : memref<56x2048xf32, #tpu.memory_space<vmem>> -> memref<56x2048xf32, #tpu.memory_space<vmem>>
    tpu.wait_dma2 semaphore(%arg6 : memref<!tpu.dma_semaphore, #tpu.memory_space<semaphore_mem>>) src(%dma_wait3A_118 : memref<56x2048xf32, #tpu.memory_space<vmem>>) dst(%dma_wait3A_115 : memref<56x2048xf32, #tpu.memory_space<hbm>>)
    %add3A_119 = arith.constant 56 : i32
    %add3A_120 = arith.addi %mul3A_2, %add3A_119 : i32
    %dma_start3A_121 = arith.constant 0 : i32
    %dma_start3A_122 = arith.constant 0 : i32
    %dma_start3A_123 = tpu.memref_slice %arg4[%dma_start3A_121, %dma_start3A_122] : memref<56x2048xf32, #tpu.memory_space<vmem>> -> memref<56x2048xf32, #tpu.memory_space<vmem>>
    %dma_start3A_124 = arith.constant 0 : i32
    %dma_start3A_125 = tpu.memref_slice %arg2[%add3A_120, %dma_start3A_124] : memref<8192x2048xf32, #tpu.memory_space<hbm>> -> memref<56x2048xf32, #tpu.memory_space<hbm>>
    %dma_start3A_126 = arith.constant 0 : i32
    %dma_start3A_127 = arith.constant 0 : i32
    %dma_start3A_128 = tpu.memref_slice %arg4[%dma_start3A_126, %dma_start3A_127] : memref<56x2048xf32, #tpu.memory_space<vmem>> -> memref<56x2048xf32, #tpu.memory_space<vmem>>
    %dma_start3A_129 = arith.constant 0 : i32
    %dma_start3A_130 = tpu.memref_slice %arg2[%add3A_120, %dma_start3A_129] : memref<8192x2048xf32, #tpu.memory_space<hbm>> -> memref<56x2048xf32, #tpu.memory_space<hbm>>
    tpu.enqueue_dma source(%dma_start3A_130 : memref<56x2048xf32, #tpu.memory_space<hbm>>) target(%dma_start3A_128 : memref<56x2048xf32, #tpu.memory_space<vmem>>) target_semaphore(%arg5 : memref<!tpu.dma_semaphore, #tpu.memory_space<semaphore_mem>>)
    %dma_wait3A_131 = arith.constant 0 : i32
    %dma_wait3A_132 = arith.constant 0 : i32
    %dma_wait3A_133 = tpu.memref_slice %arg4[%dma_wait3A_131, %dma_wait3A_132] : memref<56x2048xf32, #tpu.memory_space<vmem>> -> memref<56x2048xf32, #tpu.memory_space<vmem>>
    %dma_wait3A_134 = arith.constant 0 : i32
    %dma_wait3A_135 = tpu.memref_slice %arg2[%add3A_120, %dma_wait3A_134] : memref<8192x2048xf32, #tpu.memory_space<hbm>> -> memref<56x2048xf32, #tpu.memory_space<hbm>>
    %dma_wait3A_136 = arith.constant 0 : i32
    %dma_wait3A_137 = arith.constant 0 : i32
    %dma_wait3A_138 = tpu.memref_slice %arg4[%dma_wait3A_136, %dma_wait3A_137] : memref<56x2048xf32, #tpu.memory_space<vmem>> -> memref<56x2048xf32, #tpu.memory_space<vmem>>
    %dma_wait3A_139 = arith.constant 0 : i32
    %dma_wait3A_140 = tpu.memref_slice %arg2[%add3A_120, %dma_wait3A_139] : memref<8192x2048xf32, #tpu.memory_space<hbm>> -> memref<56x2048xf32, #tpu.memory_space<hbm>>
    tpu.wait_dma2 semaphore(%arg5 : memref<!tpu.dma_semaphore, #tpu.memory_space<semaphore_mem>>) src(%dma_wait3A_140 : memref<56x2048xf32, #tpu.memory_space<hbm>>) dst(%dma_wait3A_138 : memref<56x2048xf32, #tpu.memory_space<vmem>>)
    %add3A_141 = arith.constant 0 : i32
    %add3A_142 = arith.addi %add3A_141, %mul3A_2 : i32
    %add3A_143 = arith.constant 56 : i32
    %add3A_144 = arith.addi %add3A_142, %add3A_143 : i32
    %dma_start3A_145 = arith.constant 0 : i32
    %dma_start3A_146 = arith.constant 0 : i32
    %dma_start3A_147 = tpu.memref_slice %arg4[%dma_start3A_145, %dma_start3A_146] : memref<56x2048xf32, #tpu.memory_space<vmem>> -> memref<56x2048xf32, #tpu.memory_space<vmem>>
    %dma_start3A_148 = arith.constant 0 : i32
    %dma_start3A_149 = tpu.memref_slice %arg3[%add3A_144, %dma_start3A_148] : memref<32768x2048xf32, #tpu.memory_space<hbm>> -> memref<56x2048xf32, #tpu.memory_space<hbm>>
    %dma_start3A_150 = arith.constant 0 : i32
    %dma_start3A_151 = tpu.memref_slice %arg3[%add3A_144, %dma_start3A_150] : memref<32768x2048xf32, #tpu.memory_space<hbm>> -> memref<56x2048xf32, #tpu.memory_space<hbm>>
    %dma_start3A_152 = arith.constant 0 : i32
    %dma_start3A_153 = arith.constant 0 : i32
    %dma_start3A_154 = tpu.memref_slice %arg4[%dma_start3A_152, %dma_start3A_153] : memref<56x2048xf32, #tpu.memory_space<vmem>> -> memref<56x2048xf32, #tpu.memory_space<vmem>>
    tpu.enqueue_dma source(%dma_start3A_154 : memref<56x2048xf32, #tpu.memory_space<vmem>>) target(%dma_start3A_151 : memref<56x2048xf32, #tpu.memory_space<hbm>>) target_semaphore(%arg6 : memref<!tpu.dma_semaphore, #tpu.memory_space<semaphore_mem>>)
    %add3A_155 = arith.constant 8192 : i32
    %add3A_156 = arith.addi %add3A_155, %mul3A_2 : i32
    %add3A_157 = arith.constant 56 : i32
    %add3A_158 = arith.addi %add3A_156, %add3A_157 : i32
    %dma_start3A_159 = arith.constant 0 : i32
    %dma_start3A_160 = arith.constant 0 : i32
    %dma_start3A_161 = tpu.memref_slice %arg4[%dma_start3A_159, %dma_start3A_160] : memref<56x2048xf32, #tpu.memory_space<vmem>> -> memref<56x2048xf32, #tpu.memory_space<vmem>>
    %dma_start3A_162 = arith.constant 0 : i32
    %dma_start3A_163 = tpu.memref_slice %arg3[%add3A_158, %dma_start3A_162] : memref<32768x2048xf32, #tpu.memory_space<hbm>> -> memref<56x2048xf32, #tpu.memory_space<hbm>>
    %dma_start3A_164 = arith.constant 0 : i32
    %dma_start3A_165 = tpu.memref_slice %arg3[%add3A_158, %dma_start3A_164] : memref<32768x2048xf32, #tpu.memory_space<hbm>> -> memref<56x2048xf32, #tpu.memory_space<hbm>>
    %dma_start3A_166 = arith.constant 0 : i32
    %dma_start3A_167 = arith.constant 0 : i32
    %dma_start3A_168 = tpu.memref_slice %arg4[%dma_start3A_166, %dma_start3A_167] : memref<56x2048xf32, #tpu.memory_space<vmem>> -> memref<56x2048xf32, #tpu.memory_space<vmem>>
    tpu.enqueue_dma source(%dma_start3A_168 : memref<56x2048xf32, #tpu.memory_space<vmem>>) target(%dma_start3A_165 : memref<56x2048xf32, #tpu.memory_space<hbm>>) target_semaphore(%arg6 : memref<!tpu.dma_semaphore, #tpu.memory_space<semaphore_mem>>)
    %add3A_169 = arith.constant 16384 : i32
    %add3A_170 = arith.addi %add3A_169, %mul3A_2 : i32
    %add3A_171 = arith.constant 56 : i32
    %add3A_172 = arith.addi %add3A_170, %add3A_171 : i32
    %dma_start3A_173 = arith.constant 0 : i32
    %dma_start3A_174 = arith.constant 0 : i32
    %dma_start3A_175 = tpu.memref_slice %arg4[%dma_start3A_173, %dma_start3A_174] : memref<56x2048xf32, #tpu.memory_space<vmem>> -> memref<56x2048xf32, #tpu.memory_space<vmem>>
    %dma_start3A_176 = arith.constant 0 : i32
    %dma_start3A_177 = tpu.memref_slice %arg3[%add3A_172, %dma_start3A_176] : memref<32768x2048xf32, #tpu.memory_space<hbm>> -> memref<56x2048xf32, #tpu.memory_space<hbm>>
    %dma_start3A_178 = arith.constant 0 : i32
    %dma_start3A_179 = tpu.memref_slice %arg3[%add3A_172, %dma_start3A_178] : memref<32768x2048xf32, #tpu.memory_space<hbm>> -> memref<56x2048xf32, #tpu.memory_space<hbm>>
    %dma_start3A_180 = arith.constant 0 : i32
    %dma_start3A_181 = arith.constant 0 : i32
    %dma_start3A_182 = tpu.memref_slice %arg4[%dma_start3A_180, %dma_start3A_181] : memref<56x2048xf32, #tpu.memory_space<vmem>> -> memref<56x2048xf32, #tpu.memory_space<vmem>>
    tpu.enqueue_dma source(%dma_start3A_182 : memref<56x2048xf32, #tpu.memory_space<vmem>>) target(%dma_start3A_179 : memref<56x2048xf32, #tpu.memory_space<hbm>>) target_semaphore(%arg6 : memref<!tpu.dma_semaphore, #tpu.memory_space<semaphore_mem>>)
    %add3A_183 = arith.constant 24576 : i32
    %add3A_184 = arith.addi %add3A_183, %mul3A_2 : i32
    %add3A_185 = arith.constant 56 : i32
    %add3A_186 = arith.addi %add3A_184, %add3A_185 : i32
    %dma_start3A_187 = arith.constant 0 : i32
    %dma_start3A_188 = arith.constant 0 : i32
    %dma_start3A_189 = tpu.memref_slice %arg4[%dma_start3A_187, %dma_start3A_188] : memref<56x2048xf32, #tpu.memory_space<vmem>> -> memref<56x2048xf32, #tpu.memory_space<vmem>>
    %dma_start3A_190 = arith.constant 0 : i32
    %dma_start3A_191 = tpu.memref_slice %arg3[%add3A_186, %dma_start3A_190] : memref<32768x2048xf32, #tpu.memory_space<hbm>> -> memref<56x2048xf32, #tpu.memory_space<hbm>>
    %dma_start3A_192 = arith.constant 0 : i32
    %dma_start3A_193 = tpu.memref_slice %arg3[%add3A_186, %dma_start3A_192] : memref<32768x2048xf32, #tpu.memory_space<hbm>> -> memref<56x2048xf32, #tpu.memory_space<hbm>>
    %dma_start3A_194 = arith.constant 0 : i32
    %dma_start3A_195 = arith.constant 0 : i32
    %dma_start3A_196 = tpu.memref_slice %arg4[%dma_start3A_194, %dma_start3A_195] : memref<56x2048xf32, #tpu.memory_space<vmem>> -> memref<56x2048xf32, #tpu.memory_space<vmem>>
    tpu.enqueue_dma source(%dma_start3A_196 : memref<56x2048xf32, #tpu.memory_space<vmem>>) target(%dma_start3A_193 : memref<56x2048xf32, #tpu.memory_space<hbm>>) target_semaphore(%arg6 : memref<!tpu.dma_semaphore, #tpu.memory_space<semaphore_mem>>)
    %dma_wait3A_197 = arith.constant 0 : i32
    %dma_wait3A_198 = arith.constant 0 : i32
    %dma_wait3A_199 = tpu.memref_slice %arg4[%dma_wait3A_197, %dma_wait3A_198] : memref<56x2048xf32, #tpu.memory_space<vmem>> -> memref<56x2048xf32, #tpu.memory_space<vmem>>
    %dma_wait3A_200 = arith.constant 0 : i32
    %dma_wait3A_201 = tpu.memref_slice %arg3[%add3A_144, %dma_wait3A_200] : memref<32768x2048xf32, #tpu.memory_space<hbm>> -> memref<56x2048xf32, #tpu.memory_space<hbm>>
    %dma_wait3A_202 = arith.constant 0 : i32
    %dma_wait3A_203 = tpu.memref_slice %arg3[%add3A_144, %dma_wait3A_202] : memref<32768x2048xf32, #tpu.memory_space<hbm>> -> memref<56x2048xf32, #tpu.memory_space<hbm>>
    %dma_wait3A_204 = arith.constant 0 : i32
    %dma_wait3A_205 = arith.constant 0 : i32
    %dma_wait3A_206 = tpu.memref_slice %arg4[%dma_wait3A_204, %dma_wait3A_205] : memref<56x2048xf32, #tpu.memory_space<vmem>> -> memref<56x2048xf32, #tpu.memory_space<vmem>>
    tpu.wait_dma2 semaphore(%arg6 : memref<!tpu.dma_semaphore, #tpu.memory_space<semaphore_mem>>) src(%dma_wait3A_206 : memref<56x2048xf32, #tpu.memory_space<vmem>>) dst(%dma_wait3A_203 : memref<56x2048xf32, #tpu.memory_space<hbm>>)
    %dma_wait3A_207 = arith.constant 0 : i32
    %dma_wait3A_208 = arith.constant 0 : i32
    %dma_wait3A_209 = tpu.memref_slice %arg4[%dma_wait3A_207, %dma_wait3A_208] : memref<56x2048xf32, #tpu.memory_space<vmem>> -> memref<56x2048xf32, #tpu.memory_space<vmem>>
    %dma_wait3A_210 = arith.constant 0 : i32
    %dma_wait3A_211 = tpu.memref_slice %arg3[%add3A_158, %dma_wait3A_210] : memref<32768x2048xf32, #tpu.memory_space<hbm>> -> memref<56x2048xf32, #tpu.memory_space<hbm>>
    %dma_wait3A_212 = arith.constant 0 : i32
    %dma_wait3A_213 = tpu.memref_slice %arg3[%add3A_158, %dma_wait3A_212] : memref<32768x2048xf32, #tpu.memory_space<hbm>> -> memref<56x2048xf32, #tpu.memory_space<hbm>>
    %dma_wait3A_214 = arith.constant 0 : i32
    %dma_wait3A_215 = arith.constant 0 : i32
    %dma_wait3A_216 = tpu.memref_slice %arg4[%dma_wait3A_214, %dma_wait3A_215] : memref<56x2048xf32, #tpu.memory_space<vmem>> -> memref<56x2048xf32, #tpu.memory_space<vmem>>
    tpu.wait_dma2 semaphore(%arg6 : memref<!tpu.dma_semaphore, #tpu.memory_space<semaphore_mem>>) src(%dma_wait3A_216 : memref<56x2048xf32, #tpu.memory_space<vmem>>) dst(%dma_wait3A_213 : memref<56x2048xf32, #tpu.memory_space<hbm>>)
    %dma_wait3A_217 = arith.constant 0 : i32
    %dma_wait3A_218 = arith.constant 0 : i32
    %dma_wait3A_219 = tpu.memref_slice %arg4[%dma_wait3A_217, %dma_wait3A_218] : memref<56x2048xf32, #tpu.memory_space<vmem>> -> memref<56x2048xf32, #tpu.memory_space<vmem>>
    %dma_wait3A_220 = arith.constant 0 : i32
    %dma_wait3A_221 = tpu.memref_slice %arg3[%add3A_172, %dma_wait3A_220] : memref<32768x2048xf32, #tpu.memory_space<hbm>> -> memref<56x2048xf32, #tpu.memory_space<hbm>>
    %dma_wait3A_222 = arith.constant 0 : i32
    %dma_wait3A_223 = tpu.memref_slice %arg3[%add3A_172, %dma_wait3A_222] : memref<32768x2048xf32, #tpu.memory_space<hbm>> -> memref<56x2048xf32, #tpu.memory_space<hbm>>
    %dma_wait3A_224 = arith.constant 0 : i32
    %dma_wait3A_225 = arith.constant 0 : i32
    %dma_wait3A_226 = tpu.memref_slice %arg4[%dma_wait3A_224, %dma_wait3A_225] : memref<56x2048xf32, #tpu.memory_space<vmem>> -> memref<56x2048xf32, #tpu.memory_space<vmem>>
    tpu.wait_dma2 semaphore(%arg6 : memref<!tpu.dma_semaphore, #tpu.memory_space<semaphore_mem>>) src(%dma_wait3A_226 : memref<56x2048xf32, #tpu.memory_space<vmem>>) dst(%dma_wait3A_223 : memref<56x2048xf32, #tpu.memory_space<hbm>>)
    %dma_wait3A_227 = arith.constant 0 : i32
    %dma_wait3A_228 = arith.constant 0 : i32
    %dma_wait3A_229 = tpu.memref_slice %arg4[%dma_wait3A_227, %dma_wait3A_228] : memref<56x2048xf32, #tpu.memory_space<vmem>> -> memref<56x2048xf32, #tpu.memory_space<vmem>>
    %dma_wait3A_230 = arith.constant 0 : i32
    %dma_wait3A_231 = tpu.memref_slice %arg3[%add3A_186, %dma_wait3A_230] : memref<32768x2048xf32, #tpu.memory_space<hbm>> -> memref<56x2048xf32, #tpu.memory_space<hbm>>
    %dma_wait3A_232 = arith.constant 0 : i32
    %dma_wait3A_233 = tpu.memref_slice %arg3[%add3A_186, %dma_wait3A_232] : memref<32768x2048xf32, #tpu.memory_space<hbm>> -> memref<56x2048xf32, #tpu.memory_space<hbm>>
    %dma_wait3A_234 = arith.constant 0 : i32
    %dma_wait3A_235 = arith.constant 0 : i32
    %dma_wait3A_236 = tpu.memref_slice %arg4[%dma_wait3A_234, %dma_wait3A_235] : memref<56x2048xf32, #tpu.memory_space<vmem>> -> memref<56x2048xf32, #tpu.memory_space<vmem>>
    tpu.wait_dma2 semaphore(%arg6 : memref<!tpu.dma_semaphore, #tpu.memory_space<semaphore_mem>>) src(%dma_wait3A_236 : memref<56x2048xf32, #tpu.memory_space<vmem>>) dst(%dma_wait3A_233 : memref<56x2048xf32, #tpu.memory_space<hbm>>)
    %add3A_237 = arith.constant 112 : i32
    %add3A_238 = arith.addi %mul3A_2, %add3A_237 : i32
    %dma_start3A_239 = arith.constant 0 : i32
    %dma_start3A_240 = arith.constant 0 : i32
    %dma_start3A_241 = tpu.memref_slice %arg4[%dma_start3A_239, %dma_start3A_240] : memref<56x2048xf32, #tpu.memory_space<vmem>> -> memref<56x2048xf32, #tpu.memory_space<vmem>>
    %dma_start3A_242 = arith.constant 0 : i32
    %dma_start3A_243 = tpu.memref_slice %arg2[%add3A_238, %dma_start3A_242] : memref<8192x2048xf32, #tpu.memory_space<hbm>> -> memref<56x2048xf32, #tpu.memory_space<hbm>>
    %dma_start3A_244 = arith.constant 0 : i32
    %dma_start3A_245 = arith.constant 0 : i32
    %dma_start3A_246 = tpu.memref_slice %arg4[%dma_start3A_244, %dma_start3A_245] : memref<56x2048xf32, #tpu.memory_space<vmem>> -> memref<56x2048xf32, #tpu.memory_space<vmem>>
    %dma_start3A_247 = arith.constant 0 : i32
    %dma_start3A_248 = tpu.memref_slice %arg2[%add3A_238, %dma_start3A_247] : memref<8192x2048xf32, #tpu.memory_space<hbm>> -> memref<56x2048xf32, #tpu.memory_space<hbm>>
    tpu.enqueue_dma source(%dma_start3A_248 : memref<56x2048xf32, #tpu.memory_space<hbm>>) target(%dma_start3A_246 : memref<56x2048xf32, #tpu.memory_space<vmem>>) target_semaphore(%arg5 : memref<!tpu.dma_semaphore, #tpu.memory_space<semaphore_mem>>)
    %dma_wait3A_249 = arith.constant 0 : i32
    %dma_wait3A_250 = arith.constant 0 : i32
    %dma_wait3A_251 = tpu.memref_slice %arg4[%dma_wait3A_249, %dma_wait3A_250] : memref<56x2048xf32, #tpu.memory_space<vmem>> -> memref<56x2048xf32, #tpu.memory_space<vmem>>
    %dma_wait3A_252 = arith.constant 0 : i32
    %dma_wait3A_253 = tpu.memref_slice %arg2[%add3A_238, %dma_wait3A_252] : memref<8192x2048xf32, #tpu.memory_space<hbm>> -> memref<56x2048xf32, #tpu.memory_space<hbm>>
    %dma_wait3A_254 = arith.constant 0 : i32
    %dma_wait3A_255 = arith.constant 0 : i32
    %dma_wait3A_256 = tpu.memref_slice %arg4[%dma_wait3A_254, %dma_wait3A_255] : memref<56x2048xf32, #tpu.memory_space<vmem>> -> memref<56x2048xf32, #tpu.memory_space<vmem>>
    %dma_wait3A_257 = arith.constant 0 : i32
    %dma_wait3A_258 = tpu.memref_slice %arg2[%add3A_238, %dma_wait3A_257] : memref<8192x2048xf32, #tpu.memory_space<hbm>> -> memref<56x2048xf32, #tpu.memory_space<hbm>>
    tpu.wait_dma2 semaphore(%arg5 : memref<!tpu.dma_semaphore, #tpu.memory_space<semaphore_mem>>) src(%dma_wait3A_258 : memref<56x2048xf32, #tpu.memory_space<hbm>>) dst(%dma_wait3A_256 : memref<56x2048xf32, #tpu.memory_space<vmem>>)
    %add3A_259 = arith.constant 0 : i32
    %add3A_260 = arith.addi %add3A_259, %mul3A_2 : i32
    %add3A_261 = arith.constant 112 : i32
    %add3A_262 = arith.addi %add3A_260, %add3A_261 : i32
    %dma_start3A_263 = arith.constant 0 : i32
    %dma_start3A_264 = arith.constant 0 : i32
    %dma_start3A_265 = tpu.memref_slice %arg4[%dma_start3A_263, %dma_start3A_264] : memref<56x2048xf32, #tpu.memory_space<vmem>> -> memref<56x2048xf32, #tpu.memory_space<vmem>>
    %dma_start3A_266 = arith.constant 0 : i32
    %dma_start3A_267 = tpu.memref_slice %arg3[%add3A_262, %dma_start3A_266] : memref<32768x2048xf32, #tpu.memory_space<hbm>> -> memref<56x2048xf32, #tpu.memory_space<hbm>>
    %dma_start3A_268 = arith.constant 0 : i32
    %dma_start3A_269 = tpu.memref_slice %arg3[%add3A_262, %dma_start3A_268] : memref<32768x2048xf32, #tpu.memory_space<hbm>> -> memref<56x2048xf32, #tpu.memory_space<hbm>>
    %dma_start3A_270 = arith.constant 0 : i32
    %dma_start3A_271 = arith.constant 0 : i32
    %dma_start3A_272 = tpu.memref_slice %arg4[%dma_start3A_270, %dma_start3A_271] : memref<56x2048xf32, #tpu.memory_space<vmem>> -> memref<56x2048xf32, #tpu.memory_space<vmem>>
    tpu.enqueue_dma source(%dma_start3A_272 : memref<56x2048xf32, #tpu.memory_space<vmem>>) target(%dma_start3A_269 : memref<56x2048xf32, #tpu.memory_space<hbm>>) target_semaphore(%arg6 : memref<!tpu.dma_semaphore, #tpu.memory_space<semaphore_mem>>)
    %add3A_273 = arith.constant 8192 : i32
    %add3A_274 = arith.addi %add3A_273, %mul3A_2 : i32
    %add3A_275 = arith.constant 112 : i32
    %add3A_276 = arith.addi %add3A_274, %add3A_275 : i32
    %dma_start3A_277 = arith.constant 0 : i32
    %dma_start3A_278 = arith.constant 0 : i32
    %dma_start3A_279 = tpu.memref_slice %arg4[%dma_start3A_277, %dma_start3A_278] : memref<56x2048xf32, #tpu.memory_space<vmem>> -> memref<56x2048xf32, #tpu.memory_space<vmem>>
    %dma_start3A_280 = arith.constant 0 : i32
    %dma_start3A_281 = tpu.memref_slice %arg3[%add3A_276, %dma_start3A_280] : memref<32768x2048xf32, #tpu.memory_space<hbm>> -> memref<56x2048xf32, #tpu.memory_space<hbm>>
    %dma_start3A_282 = arith.constant 0 : i32
    %dma_start3A_283 = tpu.memref_slice %arg3[%add3A_276, %dma_start3A_282] : memref<32768x2048xf32, #tpu.memory_space<hbm>> -> memref<56x2048xf32, #tpu.memory_space<hbm>>
    %dma_start3A_284 = arith.constant 0 : i32
    %dma_start3A_285 = arith.constant 0 : i32
    %dma_start3A_286 = tpu.memref_slice %arg4[%dma_start3A_284, %dma_start3A_285] : memref<56x2048xf32, #tpu.memory_space<vmem>> -> memref<56x2048xf32, #tpu.memory_space<vmem>>
    tpu.enqueue_dma source(%dma_start3A_286 : memref<56x2048xf32, #tpu.memory_space<vmem>>) target(%dma_start3A_283 : memref<56x2048xf32, #tpu.memory_space<hbm>>) target_semaphore(%arg6 : memref<!tpu.dma_semaphore, #tpu.memory_space<semaphore_mem>>)
    %add3A_287 = arith.constant 16384 : i32
    %add3A_288 = arith.addi %add3A_287, %mul3A_2 : i32
    %add3A_289 = arith.constant 112 : i32
    %add3A_290 = arith.addi %add3A_288, %add3A_289 : i32
    %dma_start3A_291 = arith.constant 0 : i32
    %dma_start3A_292 = arith.constant 0 : i32
    %dma_start3A_293 = tpu.memref_slice %arg4[%dma_start3A_291, %dma_start3A_292] : memref<56x2048xf32, #tpu.memory_space<vmem>> -> memref<56x2048xf32, #tpu.memory_space<vmem>>
    %dma_start3A_294 = arith.constant 0 : i32
    %dma_start3A_295 = tpu.memref_slice %arg3[%add3A_290, %dma_start3A_294] : memref<32768x2048xf32, #tpu.memory_space<hbm>> -> memref<56x2048xf32, #tpu.memory_space<hbm>>
    %dma_start3A_296 = arith.constant 0 : i32
    %dma_start3A_297 = tpu.memref_slice %arg3[%add3A_290, %dma_start3A_296] : memref<32768x2048xf32, #tpu.memory_space<hbm>> -> memref<56x2048xf32, #tpu.memory_space<hbm>>
    %dma_start3A_298 = arith.constant 0 : i32
    %dma_start3A_299 = arith.constant 0 : i32
    %dma_start3A_300 = tpu.memref_slice %arg4[%dma_start3A_298, %dma_start3A_299] : memref<56x2048xf32, #tpu.memory_space<vmem>> -> memref<56x2048xf32, #tpu.memory_space<vmem>>
    tpu.enqueue_dma source(%dma_start3A_300 : memref<56x2048xf32, #tpu.memory_space<vmem>>) target(%dma_start3A_297 : memref<56x2048xf32, #tpu.memory_space<hbm>>) target_semaphore(%arg6 : memref<!tpu.dma_semaphore, #tpu.memory_space<semaphore_mem>>)
    %add3A_301 = arith.constant 24576 : i32
    %add3A_302 = arith.addi %add3A_301, %mul3A_2 : i32
    %add3A_303 = arith.constant 112 : i32
    %add3A_304 = arith.addi %add3A_302, %add3A_303 : i32
    %dma_start3A_305 = arith.constant 0 : i32
    %dma_start3A_306 = arith.constant 0 : i32
    %dma_start3A_307 = tpu.memref_slice %arg4[%dma_start3A_305, %dma_start3A_306] : memref<56x2048xf32, #tpu.memory_space<vmem>> -> memref<56x2048xf32, #tpu.memory_space<vmem>>
    %dma_start3A_308 = arith.constant 0 : i32
    %dma_start3A_309 = tpu.memref_slice %arg3[%add3A_304, %dma_start3A_308] : memref<32768x2048xf32, #tpu.memory_space<hbm>> -> memref<56x2048xf32, #tpu.memory_space<hbm>>
    %dma_start3A_310 = arith.constant 0 : i32
    %dma_start3A_311 = tpu.memref_slice %arg3[%add3A_304, %dma_start3A_310] : memref<32768x2048xf32, #tpu.memory_space<hbm>> -> memref<56x2048xf32, #tpu.memory_space<hbm>>
    %dma_start3A_312 = arith.constant 0 : i32
    %dma_start3A_313 = arith.constant 0 : i32
    %dma_start3A_314 = tpu.memref_slice %arg4[%dma_start3A_312, %dma_start3A_313] : memref<56x2048xf32, #tpu.memory_space<vmem>> -> memref<56x2048xf32, #tpu.memory_space<vmem>>
    tpu.enqueue_dma source(%dma_start3A_314 : memref<56x2048xf32, #tpu.memory_space<vmem>>) target(%dma_start3A_311 : memref<56x2048xf32, #tpu.memory_space<hbm>>) target_semaphore(%arg6 : memref<!tpu.dma_semaphore, #tpu.memory_space<semaphore_mem>>)
    %dma_wait3A_315 = arith.constant 0 : i32
    %dma_wait3A_316 = arith.constant 0 : i32
    %dma_wait3A_317 = tpu.memref_slice %arg4[%dma_wait3A_315, %dma_wait3A_316] : memref<56x2048xf32, #tpu.memory_space<vmem>> -> memref<56x2048xf32, #tpu.memory_space<vmem>>
    %dma_wait3A_318 = arith.constant 0 : i32
    %dma_wait3A_319 = tpu.memref_slice %arg3[%add3A_262, %dma_wait3A_318] : memref<32768x2048xf32, #tpu.memory_space<hbm>> -> memref<56x2048xf32, #tpu.memory_space<hbm>>
    %dma_wait3A_320 = arith.constant 0 : i32
    %dma_wait3A_321 = tpu.memref_slice %arg3[%add3A_262, %dma_wait3A_320] : memref<32768x2048xf32, #tpu.memory_space<hbm>> -> memref<56x2048xf32, #tpu.memory_space<hbm>>
    %dma_wait3A_322 = arith.constant 0 : i32
    %dma_wait3A_323 = arith.constant 0 : i32
    %dma_wait3A_324 = tpu.memref_slice %arg4[%dma_wait3A_322, %dma_wait3A_323] : memref<56x2048xf32, #tpu.memory_space<vmem>> -> memref<56x2048xf32, #tpu.memory_space<vmem>>
    tpu.wait_dma2 semaphore(%arg6 : memref<!tpu.dma_semaphore, #tpu.memory_space<semaphore_mem>>) src(%dma_wait3A_324 : memref<56x2048xf32, #tpu.memory_space<vmem>>) dst(%dma_wait3A_321 : memref<56x2048xf32, #tpu.memory_space<hbm>>)
    %dma_wait3A_325 = arith.constant 0 : i32
    %dma_wait3A_326 = arith.constant 0 : i32
    %dma_wait3A_327 = tpu.memref_slice %arg4[%dma_wait3A_325, %dma_wait3A_326] : memref<56x2048xf32, #tpu.memory_space<vmem>> -> memref<56x2048xf32, #tpu.memory_space<vmem>>
    %dma_wait3A_328 = arith.constant 0 : i32
    %dma_wait3A_329 = tpu.memref_slice %arg3[%add3A_276, %dma_wait3A_328] : memref<32768x2048xf32, #tpu.memory_space<hbm>> -> memref<56x2048xf32, #tpu.memory_space<hbm>>
    %dma_wait3A_330 = arith.constant 0 : i32
    %dma_wait3A_331 = tpu.memref_slice %arg3[%add3A_276, %dma_wait3A_330] : memref<32768x2048xf32, #tpu.memory_space<hbm>> -> memref<56x2048xf32, #tpu.memory_space<hbm>>
    %dma_wait3A_332 = arith.constant 0 : i32
    %dma_wait3A_333 = arith.constant 0 : i32
    %dma_wait3A_334 = tpu.memref_slice %arg4[%dma_wait3A_332, %dma_wait3A_333] : memref<56x2048xf32, #tpu.memory_space<vmem>> -> memref<56x2048xf32, #tpu.memory_space<vmem>>
    tpu.wait_dma2 semaphore(%arg6 : memref<!tpu.dma_semaphore, #tpu.memory_space<semaphore_mem>>) src(%dma_wait3A_334 : memref<56x2048xf32, #tpu.memory_space<vmem>>) dst(%dma_wait3A_331 : memref<56x2048xf32, #tpu.memory_space<hbm>>)
    %dma_wait3A_335 = arith.constant 0 : i32
    %dma_wait3A_336 = arith.constant 0 : i32
    %dma_wait3A_337 = tpu.memref_slice %arg4[%dma_wait3A_335, %dma_wait3A_336] : memref<56x2048xf32, #tpu.memory_space<vmem>> -> memref<56x2048xf32, #tpu.memory_space<vmem>>
    %dma_wait3A_338 = arith.constant 0 : i32
    %dma_wait3A_339 = tpu.memref_slice %arg3[%add3A_290, %dma_wait3A_338] : memref<32768x2048xf32, #tpu.memory_space<hbm>> -> memref<56x2048xf32, #tpu.memory_space<hbm>>
    %dma_wait3A_340 = arith.constant 0 : i32
    %dma_wait3A_341 = tpu.memref_slice %arg3[%add3A_290, %dma_wait3A_340] : memref<32768x2048xf32, #tpu.memory_space<hbm>> -> memref<56x2048xf32, #tpu.memory_space<hbm>>
    %dma_wait3A_342 = arith.constant 0 : i32
    %dma_wait3A_343 = arith.constant 0 : i32
    %dma_wait3A_344 = tpu.memref_slice %arg4[%dma_wait3A_342, %dma_wait3A_343] : memref<56x2048xf32, #tpu.memory_space<vmem>> -> memref<56x2048xf32, #tpu.memory_space<vmem>>
    tpu.wait_dma2 semaphore(%arg6 : memref<!tpu.dma_semaphore, #tpu.memory_space<semaphore_mem>>) src(%dma_wait3A_344 : memref<56x2048xf32, #tpu.memory_space<vmem>>) dst(%dma_wait3A_341 : memref<56x2048xf32, #tpu.memory_space<hbm>>)
    %dma_wait3A_345 = arith.constant 0 : i32
    %dma_wait3A_346 = arith.constant 0 : i32
    %dma_wait3A_347 = tpu.memref_slice %arg4[%dma_wait3A_345, %dma_wait3A_346] : memref<56x2048xf32, #tpu.memory_space<vmem>> -> memref<56x2048xf32, #tpu.memory_space<vmem>>
    %dma_wait3A_348 = arith.constant 0 : i32
    %dma_wait3A_349 = tpu.memref_slice %arg3[%add3A_304, %dma_wait3A_348] : memref<32768x2048xf32, #tpu.memory_space<hbm>> -> memref<56x2048xf32, #tpu.memory_space<hbm>>
    %dma_wait3A_350 = arith.constant 0 : i32
    %dma_wait3A_351 = tpu.memref_slice %arg3[%add3A_304, %dma_wait3A_350] : memref<32768x2048xf32, #tpu.memory_space<hbm>> -> memref<56x2048xf32, #tpu.memory_space<hbm>>
    %dma_wait3A_352 = arith.constant 0 : i32
    %dma_wait3A_353 = arith.constant 0 : i32
    %dma_wait3A_354 = tpu.memref_slice %arg4[%dma_wait3A_352, %dma_wait3A_353] : memref<56x2048xf32, #tpu.memory_space<vmem>> -> memref<56x2048xf32, #tpu.memory_space<vmem>>
    tpu.wait_dma2 semaphore(%arg6 : memref<!tpu.dma_semaphore, #tpu.memory_space<semaphore_mem>>) src(%dma_wait3A_354 : memref<56x2048xf32, #tpu.memory_space<vmem>>) dst(%dma_wait3A_351 : memref<56x2048xf32, #tpu.memory_space<hbm>>)
    %add3A_355 = arith.constant 168 : i32
    %add3A_356 = arith.addi %mul3A_2, %add3A_355 : i32
    %dma_start3A_357 = arith.constant 0 : i32
    %dma_start3A_358 = arith.constant 0 : i32
    %dma_start3A_359 = tpu.memref_slice %arg4[%dma_start3A_357, %dma_start3A_358] : memref<56x2048xf32, #tpu.memory_space<vmem>> -> memref<56x2048xf32, #tpu.memory_space<vmem>>
    %dma_start3A_360 = arith.constant 0 : i32
    %dma_start3A_361 = tpu.memref_slice %arg2[%add3A_356, %dma_start3A_360] : memref<8192x2048xf32, #tpu.memory_space<hbm>> -> memref<56x2048xf32, #tpu.memory_space<hbm>>
    %dma_start3A_362 = arith.constant 0 : i32
    %dma_start3A_363 = arith.constant 0 : i32
    %dma_start3A_364 = tpu.memref_slice %arg4[%dma_start3A_362, %dma_start3A_363] : memref<56x2048xf32, #tpu.memory_space<vmem>> -> memref<56x2048xf32, #tpu.memory_space<vmem>>
    %dma_start3A_365 = arith.constant 0 : i32
    %dma_start3A_366 = tpu.memref_slice %arg2[%add3A_356, %dma_start3A_365] : memref<8192x2048xf32, #tpu.memory_space<hbm>> -> memref<56x2048xf32, #tpu.memory_space<hbm>>
    tpu.enqueue_dma source(%dma_start3A_366 : memref<56x2048xf32, #tpu.memory_space<hbm>>) target(%dma_start3A_364 : memref<56x2048xf32, #tpu.memory_space<vmem>>) target_semaphore(%arg5 : memref<!tpu.dma_semaphore, #tpu.memory_space<semaphore_mem>>)
    %dma_wait3A_367 = arith.constant 0 : i32
    %dma_wait3A_368 = arith.constant 0 : i32
    %dma_wait3A_369 = tpu.memref_slice %arg4[%dma_wait3A_367, %dma_wait3A_368] : memref<56x2048xf32, #tpu.memory_space<vmem>> -> memref<56x2048xf32, #tpu.memory_space<vmem>>
    %dma_wait3A_370 = arith.constant 0 : i32
    %dma_wait3A_371 = tpu.memref_slice %arg2[%add3A_356, %dma_wait3A_370] : memref<8192x2048xf32, #tpu.memory_space<hbm>> -> memref<56x2048xf32, #tpu.memory_space<hbm>>
    %dma_wait3A_372 = arith.constant 0 : i32
    %dma_wait3A_373 = arith.constant 0 : i32
    %dma_wait3A_374 = tpu.memref_slice %arg4[%dma_wait3A_372, %dma_wait3A_373] : memref<56x2048xf32, #tpu.memory_space<vmem>> -> memref<56x2048xf32, #tpu.memory_space<vmem>>
    %dma_wait3A_375 = arith.constant 0 : i32
    %dma_wait3A_376 = tpu.memref_slice %arg2[%add3A_356, %dma_wait3A_375] : memref<8192x2048xf32, #tpu.memory_space<hbm>> -> memref<56x2048xf32, #tpu.memory_space<hbm>>
    tpu.wait_dma2 semaphore(%arg5 : memref<!tpu.dma_semaphore, #tpu.memory_space<semaphore_mem>>) src(%dma_wait3A_376 : memref<56x2048xf32, #tpu.memory_space<hbm>>) dst(%dma_wait3A_374 : memref<56x2048xf32, #tpu.memory_space<vmem>>)
    %add3A_377 = arith.constant 0 : i32
    %add3A_378 = arith.addi %add3A_377, %mul3A_2 : i32
    %add3A_379 = arith.constant 168 : i32
    %add3A_380 = arith.addi %add3A_378, %add3A_379 : i32
    %dma_start3A_381 = arith.constant 0 : i32
    %dma_start3A_382 = arith.constant 0 : i32
    %dma_start3A_383 = tpu.memref_slice %arg4[%dma_start3A_381, %dma_start3A_382] : memref<56x2048xf32, #tpu.memory_space<vmem>> -> memref<56x2048xf32, #tpu.memory_space<vmem>>
    %dma_start3A_384 = arith.constant 0 : i32
    %dma_start3A_385 = tpu.memref_slice %arg3[%add3A_380, %dma_start3A_384] : memref<32768x2048xf32, #tpu.memory_space<hbm>> -> memref<56x2048xf32, #tpu.memory_space<hbm>>
    %dma_start3A_386 = arith.constant 0 : i32
    %dma_start3A_387 = tpu.memref_slice %arg3[%add3A_380, %dma_start3A_386] : memref<32768x2048xf32, #tpu.memory_space<hbm>> -> memref<56x2048xf32, #tpu.memory_space<hbm>>
    %dma_start3A_388 = arith.constant 0 : i32
    %dma_start3A_389 = arith.constant 0 : i32
    %dma_start3A_390 = tpu.memref_slice %arg4[%dma_start3A_388, %dma_start3A_389] : memref<56x2048xf32, #tpu.memory_space<vmem>> -> memref<56x2048xf32, #tpu.memory_space<vmem>>
    tpu.enqueue_dma source(%dma_start3A_390 : memref<56x2048xf32, #tpu.memory_space<vmem>>) target(%dma_start3A_387 : memref<56x2048xf32, #tpu.memory_space<hbm>>) target_semaphore(%arg6 : memref<!tpu.dma_semaphore, #tpu.memory_space<semaphore_mem>>)
    %add3A_391 = arith.constant 8192 : i32
    %add3A_392 = arith.addi %add3A_391, %mul3A_2 : i32
    %add3A_393 = arith.constant 168 : i32
    %add3A_394 = arith.addi %add3A_392, %add3A_393 : i32
    %dma_start3A_395 = arith.constant 0 : i32
    %dma_start3A_396 = arith.constant 0 : i32
    %dma_start3A_397 = tpu.memref_slice %arg4[%dma_start3A_395, %dma_start3A_396] : memref<56x2048xf32, #tpu.memory_space<vmem>> -> memref<56x2048xf32, #tpu.memory_space<vmem>>
    %dma_start3A_398 = arith.constant 0 : i32
    %dma_start3A_399 = tpu.memref_slice %arg3[%add3A_394, %dma_start3A_398] : memref<32768x2048xf32, #tpu.memory_space<hbm>> -> memref<56x2048xf32, #tpu.memory_space<hbm>>
    %dma_start3A_400 = arith.constant 0 : i32
    %dma_start3A_401 = tpu.memref_slice %arg3[%add3A_394, %dma_start3A_400] : memref<32768x2048xf32, #tpu.memory_space<hbm>> -> memref<56x2048xf32, #tpu.memory_space<hbm>>
    %dma_start3A_402 = arith.constant 0 : i32
    %dma_start3A_403 = arith.constant 0 : i32
    %dma_start3A_404 = tpu.memref_slice %arg4[%dma_start3A_402, %dma_start3A_403] : memref<56x2048xf32, #tpu.memory_space<vmem>> -> memref<56x2048xf32, #tpu.memory_space<vmem>>
    tpu.enqueue_dma source(%dma_start3A_404 : memref<56x2048xf32, #tpu.memory_space<vmem>>) target(%dma_start3A_401 : memref<56x2048xf32, #tpu.memory_space<hbm>>) target_semaphore(%arg6 : memref<!tpu.dma_semaphore, #tpu.memory_space<semaphore_mem>>)
    %add3A_405 = arith.constant 16384 : i32
    %add3A_406 = arith.addi %add3A_405, %mul3A_2 : i32
    %add3A_407 = arith.constant 168 : i32
    %add3A_408 = arith.addi %add3A_406, %add3A_407 : i32
    %dma_start3A_409 = arith.constant 0 : i32
    %dma_start3A_410 = arith.constant 0 : i32
    %dma_start3A_411 = tpu.memref_slice %arg4[%dma_start3A_409, %dma_start3A_410] : memref<56x2048xf32, #tpu.memory_space<vmem>> -> memref<56x2048xf32, #tpu.memory_space<vmem>>
    %dma_start3A_412 = arith.constant 0 : i32
    %dma_start3A_413 = tpu.memref_slice %arg3[%add3A_408, %dma_start3A_412] : memref<32768x2048xf32, #tpu.memory_space<hbm>> -> memref<56x2048xf32, #tpu.memory_space<hbm>>
    %dma_start3A_414 = arith.constant 0 : i32
    %dma_start3A_415 = tpu.memref_slice %arg3[%add3A_408, %dma_start3A_414] : memref<32768x2048xf32, #tpu.memory_space<hbm>> -> memref<56x2048xf32, #tpu.memory_space<hbm>>
    %dma_start3A_416 = arith.constant 0 : i32
    %dma_start3A_417 = arith.constant 0 : i32
    %dma_start3A_418 = tpu.memref_slice %arg4[%dma_start3A_416, %dma_start3A_417] : memref<56x2048xf32, #tpu.memory_space<vmem>> -> memref<56x2048xf32, #tpu.memory_space<vmem>>
    tpu.enqueue_dma source(%dma_start3A_418 : memref<56x2048xf32, #tpu.memory_space<vmem>>) target(%dma_start3A_415 : memref<56x2048xf32, #tpu.memory_space<hbm>>) target_semaphore(%arg6 : memref<!tpu.dma_semaphore, #tpu.memory_space<semaphore_mem>>)
    %add3A_419 = arith.constant 24576 : i32
    %add3A_420 = arith.addi %add3A_419, %mul3A_2 : i32
    %add3A_421 = arith.constant 168 : i32
    %add3A_422 = arith.addi %add3A_420, %add3A_421 : i32
    %dma_start3A_423 = arith.constant 0 : i32
    %dma_start3A_424 = arith.constant 0 : i32
    %dma_start3A_425 = tpu.memref_slice %arg4[%dma_start3A_423, %dma_start3A_424] : memref<56x2048xf32, #tpu.memory_space<vmem>> -> memref<56x2048xf32, #tpu.memory_space<vmem>>
    %dma_start3A_426 = arith.constant 0 : i32
    %dma_start3A_427 = tpu.memref_slice %arg3[%add3A_422, %dma_start3A_426] : memref<32768x2048xf32, #tpu.memory_space<hbm>> -> memref<56x2048xf32, #tpu.memory_space<hbm>>
    %dma_start3A_428 = arith.constant 0 : i32
    %dma_start3A_429 = tpu.memref_slice %arg3[%add3A_422, %dma_start3A_428] : memref<32768x2048xf32, #tpu.memory_space<hbm>> -> memref<56x2048xf32, #tpu.memory_space<hbm>>
    %dma_start3A_430 = arith.constant 0 : i32
    %dma_start3A_431 = arith.constant 0 : i32
    %dma_start3A_432 = tpu.memref_slice %arg4[%dma_start3A_430, %dma_start3A_431] : memref<56x2048xf32, #tpu.memory_space<vmem>> -> memref<56x2048xf32, #tpu.memory_space<vmem>>
    tpu.enqueue_dma source(%dma_start3A_432 : memref<56x2048xf32, #tpu.memory_space<vmem>>) target(%dma_start3A_429 : memref<56x2048xf32, #tpu.memory_space<hbm>>) target_semaphore(%arg6 : memref<!tpu.dma_semaphore, #tpu.memory_space<semaphore_mem>>)
    %dma_wait3A_433 = arith.constant 0 : i32
    %dma_wait3A_434 = arith.constant 0 : i32
    %dma_wait3A_435 = tpu.memref_slice %arg4[%dma_wait3A_433, %dma_wait3A_434] : memref<56x2048xf32, #tpu.memory_space<vmem>> -> memref<56x2048xf32, #tpu.memory_space<vmem>>
    %dma_wait3A_436 = arith.constant 0 : i32
    %dma_wait3A_437 = tpu.memref_slice %arg3[%add3A_380, %dma_wait3A_436] : memref<32768x2048xf32, #tpu.memory_space<hbm>> -> memref<56x2048xf32, #tpu.memory_space<hbm>>
    %dma_wait3A_438 = arith.constant 0 : i32
    %dma_wait3A_439 = tpu.memref_slice %arg3[%add3A_380, %dma_wait3A_438] : memref<32768x2048xf32, #tpu.memory_space<hbm>> -> memref<56x2048xf32, #tpu.memory_space<hbm>>
    %dma_wait3A_440 = arith.constant 0 : i32
    %dma_wait3A_441 = arith.constant 0 : i32
    %dma_wait3A_442 = tpu.memref_slice %arg4[%dma_wait3A_440, %dma_wait3A_441] : memref<56x2048xf32, #tpu.memory_space<vmem>> -> memref<56x2048xf32, #tpu.memory_space<vmem>>
    tpu.wait_dma2 semaphore(%arg6 : memref<!tpu.dma_semaphore, #tpu.memory_space<semaphore_mem>>) src(%dma_wait3A_442 : memref<56x2048xf32, #tpu.memory_space<vmem>>) dst(%dma_wait3A_439 : memref<56x2048xf32, #tpu.memory_space<hbm>>)
    %dma_wait3A_443 = arith.constant 0 : i32
    %dma_wait3A_444 = arith.constant 0 : i32
    %dma_wait3A_445 = tpu.memref_slice %arg4[%dma_wait3A_443, %dma_wait3A_444] : memref<56x2048xf32, #tpu.memory_space<vmem>> -> memref<56x2048xf32, #tpu.memory_space<vmem>>
    %dma_wait3A_446 = arith.constant 0 : i32
    %dma_wait3A_447 = tpu.memref_slice %arg3[%add3A_394, %dma_wait3A_446] : memref<32768x2048xf32, #tpu.memory_space<hbm>> -> memref<56x2048xf32, #tpu.memory_space<hbm>>
    %dma_wait3A_448 = arith.constant 0 : i32
    %dma_wait3A_449 = tpu.memref_slice %arg3[%add3A_394, %dma_wait3A_448] : memref<32768x2048xf32, #tpu.memory_space<hbm>> -> memref<56x2048xf32, #tpu.memory_space<hbm>>
    %dma_wait3A_450 = arith.constant 0 : i32
    %dma_wait3A_451 = arith.constant 0 : i32
    %dma_wait3A_452 = tpu.memref_slice %arg4[%dma_wait3A_450, %dma_wait3A_451] : memref<56x2048xf32, #tpu.memory_space<vmem>> -> memref<56x2048xf32, #tpu.memory_space<vmem>>
    tpu.wait_dma2 semaphore(%arg6 : memref<!tpu.dma_semaphore, #tpu.memory_space<semaphore_mem>>) src(%dma_wait3A_452 : memref<56x2048xf32, #tpu.memory_space<vmem>>) dst(%dma_wait3A_449 : memref<56x2048xf32, #tpu.memory_space<hbm>>)
    %dma_wait3A_453 = arith.constant 0 : i32
    %dma_wait3A_454 = arith.constant 0 : i32
    %dma_wait3A_455 = tpu.memref_slice %arg4[%dma_wait3A_453, %dma_wait3A_454] : memref<56x2048xf32, #tpu.memory_space<vmem>> -> memref<56x2048xf32, #tpu.memory_space<vmem>>
    %dma_wait3A_456 = arith.constant 0 : i32
    %dma_wait3A_457 = tpu.memref_slice %arg3[%add3A_408, %dma_wait3A_456] : memref<32768x2048xf32, #tpu.memory_space<hbm>> -> memref<56x2048xf32, #tpu.memory_space<hbm>>
    %dma_wait3A_458 = arith.constant 0 : i32
    %dma_wait3A_459 = tpu.memref_slice %arg3[%add3A_408, %dma_wait3A_458] : memref<32768x2048xf32, #tpu.memory_space<hbm>> -> memref<56x2048xf32, #tpu.memory_space<hbm>>
    %dma_wait3A_460 = arith.constant 0 : i32
    %dma_wait3A_461 = arith.constant 0 : i32
    %dma_wait3A_462 = tpu.memref_slice %arg4[%dma_wait3A_460, %dma_wait3A_461] : memref<56x2048xf32, #tpu.memory_space<vmem>> -> memref<56x2048xf32, #tpu.memory_space<vmem>>
    tpu.wait_dma2 semaphore(%arg6 : memref<!tpu.dma_semaphore, #tpu.memory_space<semaphore_mem>>) src(%dma_wait3A_462 : memref<56x2048xf32, #tpu.memory_space<vmem>>) dst(%dma_wait3A_459 : memref<56x2048xf32, #tpu.memory_space<hbm>>)
    %dma_wait3A_463 = arith.constant 0 : i32
    %dma_wait3A_464 = arith.constant 0 : i32
    %dma_wait3A_465 = tpu.memref_slice %arg4[%dma_wait3A_463, %dma_wait3A_464] : memref<56x2048xf32, #tpu.memory_space<vmem>> -> memref<56x2048xf32, #tpu.memory_space<vmem>>
    %dma_wait3A_466 = arith.constant 0 : i32
    %dma_wait3A_467 = tpu.memref_slice %arg3[%add3A_422, %dma_wait3A_466] : memref<32768x2048xf32, #tpu.memory_space<hbm>> -> memref<56x2048xf32, #tpu.memory_space<hbm>>
    %dma_wait3A_468 = arith.constant 0 : i32
    %dma_wait3A_469 = tpu.memref_slice %arg3[%add3A_422, %dma_wait3A_468] : memref<32768x2048xf32, #tpu.memory_space<hbm>> -> memref<56x2048xf32, #tpu.memory_space<hbm>>
    %dma_wait3A_470 = arith.constant 0 : i32
    %dma_wait3A_471 = arith.constant 0 : i32
    %dma_wait3A_472 = tpu.memref_slice %arg4[%dma_wait3A_470, %dma_wait3A_471] : memref<56x2048xf32, #tpu.memory_space<vmem>> -> memref<56x2048xf32, #tpu.memory_space<vmem>>
    tpu.wait_dma2 semaphore(%arg6 : memref<!tpu.dma_semaphore, #tpu.memory_space<semaphore_mem>>) src(%dma_wait3A_472 : memref<56x2048xf32, #tpu.memory_space<vmem>>) dst(%dma_wait3A_469 : memref<56x2048xf32, #tpu.memory_space<hbm>>)
    %add3A_473 = arith.constant 224 : i32
    %add3A_474 = arith.addi %mul3A_2, %add3A_473 : i32
    %dma_start3A_475 = arith.constant 0 : i32
    %dma_start3A_476 = arith.constant 0 : i32
    %dma_start3A_477 = tpu.memref_slice %arg4[%dma_start3A_475, %dma_start3A_476] : memref<56x2048xf32, #tpu.memory_space<vmem>> -> memref<32x2048xf32, #tpu.memory_space<vmem>>
    %dma_start3A_478 = arith.constant 0 : i32
    %dma_start3A_479 = tpu.memref_slice %arg2[%add3A_474, %dma_start3A_478] : memref<8192x2048xf32, #tpu.memory_space<hbm>> -> memref<32x2048xf32, #tpu.memory_space<hbm>>
    %dma_start3A_480 = arith.constant 0 : i32
    %dma_start3A_481 = arith.constant 0 : i32
    %dma_start3A_482 = tpu.memref_slice %arg4[%dma_start3A_480, %dma_start3A_481] : memref<56x2048xf32, #tpu.memory_space<vmem>> -> memref<32x2048xf32, #tpu.memory_space<vmem>>
    %dma_start3A_483 = arith.constant 0 : i32
    %dma_start3A_484 = tpu.memref_slice %arg2[%add3A_474, %dma_start3A_483] : memref<8192x2048xf32, #tpu.memory_space<hbm>> -> memref<32x2048xf32, #tpu.memory_space<hbm>>
    tpu.enqueue_dma source(%dma_start3A_484 : memref<32x2048xf32, #tpu.memory_space<hbm>>) target(%dma_start3A_482 : memref<32x2048xf32, #tpu.memory_space<vmem>>) target_semaphore(%arg5 : memref<!tpu.dma_semaphore, #tpu.memory_space<semaphore_mem>>)
    %dma_wait3A_485 = arith.constant 0 : i32
    %dma_wait3A_486 = arith.constant 0 : i32
    %dma_wait3A_487 = tpu.memref_slice %arg4[%dma_wait3A_485, %dma_wait3A_486] : memref<56x2048xf32, #tpu.memory_space<vmem>> -> memref<32x2048xf32, #tpu.memory_space<vmem>>
    %dma_wait3A_488 = arith.constant 0 : i32
    %dma_wait3A_489 = tpu.memref_slice %arg2[%add3A_474, %dma_wait3A_488] : memref<8192x2048xf32, #tpu.memory_space<hbm>> -> memref<32x2048xf32, #tpu.memory_space<hbm>>
    %dma_wait3A_490 = arith.constant 0 : i32
    %dma_wait3A_491 = arith.constant 0 : i32
    %dma_wait3A_492 = tpu.memref_slice %arg4[%dma_wait3A_490, %dma_wait3A_491] : memref<56x2048xf32, #tpu.memory_space<vmem>> -> memref<32x2048xf32, #tpu.memory_space<vmem>>
    %dma_wait3A_493 = arith.constant 0 : i32
    %dma_wait3A_494 = tpu.memref_slice %arg2[%add3A_474, %dma_wait3A_493] : memref<8192x2048xf32, #tpu.memory_space<hbm>> -> memref<32x2048xf32, #tpu.memory_space<hbm>>
    tpu.wait_dma2 semaphore(%arg5 : memref<!tpu.dma_semaphore, #tpu.memory_space<semaphore_mem>>) src(%dma_wait3A_494 : memref<32x2048xf32, #tpu.memory_space<hbm>>) dst(%dma_wait3A_492 : memref<32x2048xf32, #tpu.memory_space<vmem>>)
    %add3A_495 = arith.constant 0 : i32
    %add3A_496 = arith.addi %add3A_495, %mul3A_2 : i32
    %add3A_497 = arith.constant 224 : i32
    %add3A_498 = arith.addi %add3A_496, %add3A_497 : i32
    %dma_start3A_499 = arith.constant 0 : i32
    %dma_start3A_500 = arith.constant 0 : i32
    %dma_start3A_501 = tpu.memref_slice %arg4[%dma_start3A_499, %dma_start3A_500] : memref<56x2048xf32, #tpu.memory_space<vmem>> -> memref<32x2048xf32, #tpu.memory_space<vmem>>
    %dma_start3A_502 = arith.constant 0 : i32
    %dma_start3A_503 = tpu.memref_slice %arg3[%add3A_498, %dma_start3A_502] : memref<32768x2048xf32, #tpu.memory_space<hbm>> -> memref<32x2048xf32, #tpu.memory_space<hbm>>
    %dma_start3A_504 = arith.constant 0 : i32
    %dma_start3A_505 = tpu.memref_slice %arg3[%add3A_498, %dma_start3A_504] : memref<32768x2048xf32, #tpu.memory_space<hbm>> -> memref<32x2048xf32, #tpu.memory_space<hbm>>
    %dma_start3A_506 = arith.constant 0 : i32
    %dma_start3A_507 = arith.constant 0 : i32
    %dma_start3A_508 = tpu.memref_slice %arg4[%dma_start3A_506, %dma_start3A_507] : memref<56x2048xf32, #tpu.memory_space<vmem>> -> memref<32x2048xf32, #tpu.memory_space<vmem>>
    tpu.enqueue_dma source(%dma_start3A_508 : memref<32x2048xf32, #tpu.memory_space<vmem>>) target(%dma_start3A_505 : memref<32x2048xf32, #tpu.memory_space<hbm>>) target_semaphore(%arg6 : memref<!tpu.dma_semaphore, #tpu.memory_space<semaphore_mem>>)
    %add3A_509 = arith.constant 8192 : i32
    %add3A_510 = arith.addi %add3A_509, %mul3A_2 : i32
    %add3A_511 = arith.constant 224 : i32
    %add3A_512 = arith.addi %add3A_510, %add3A_511 : i32
    %dma_start3A_513 = arith.constant 0 : i32
    %dma_start3A_514 = arith.constant 0 : i32
    %dma_start3A_515 = tpu.memref_slice %arg4[%dma_start3A_513, %dma_start3A_514] : memref<56x2048xf32, #tpu.memory_space<vmem>> -> memref<32x2048xf32, #tpu.memory_space<vmem>>
    %dma_start3A_516 = arith.constant 0 : i32
    %dma_start3A_517 = tpu.memref_slice %arg3[%add3A_512, %dma_start3A_516] : memref<32768x2048xf32, #tpu.memory_space<hbm>> -> memref<32x2048xf32, #tpu.memory_space<hbm>>
    %dma_start3A_518 = arith.constant 0 : i32
    %dma_start3A_519 = tpu.memref_slice %arg3[%add3A_512, %dma_start3A_518] : memref<32768x2048xf32, #tpu.memory_space<hbm>> -> memref<32x2048xf32, #tpu.memory_space<hbm>>
    %dma_start3A_520 = arith.constant 0 : i32
    %dma_start3A_521 = arith.constant 0 : i32
    %dma_start3A_522 = tpu.memref_slice %arg4[%dma_start3A_520, %dma_start3A_521] : memref<56x2048xf32, #tpu.memory_space<vmem>> -> memref<32x2048xf32, #tpu.memory_space<vmem>>
    tpu.enqueue_dma source(%dma_start3A_522 : memref<32x2048xf32, #tpu.memory_space<vmem>>) target(%dma_start3A_519 : memref<32x2048xf32, #tpu.memory_space<hbm>>) target_semaphore(%arg6 : memref<!tpu.dma_semaphore, #tpu.memory_space<semaphore_mem>>)
    %add3A_523 = arith.constant 16384 : i32
    %add3A_524 = arith.addi %add3A_523, %mul3A_2 : i32
    %add3A_525 = arith.constant 224 : i32
    %add3A_526 = arith.addi %add3A_524, %add3A_525 : i32
    %dma_start3A_527 = arith.constant 0 : i32
    %dma_start3A_528 = arith.constant 0 : i32
    %dma_start3A_529 = tpu.memref_slice %arg4[%dma_start3A_527, %dma_start3A_528] : memref<56x2048xf32, #tpu.memory_space<vmem>> -> memref<32x2048xf32, #tpu.memory_space<vmem>>
    %dma_start3A_530 = arith.constant 0 : i32
    %dma_start3A_531 = tpu.memref_slice %arg3[%add3A_526, %dma_start3A_530] : memref<32768x2048xf32, #tpu.memory_space<hbm>> -> memref<32x2048xf32, #tpu.memory_space<hbm>>
    %dma_start3A_532 = arith.constant 0 : i32
    %dma_start3A_533 = tpu.memref_slice %arg3[%add3A_526, %dma_start3A_532] : memref<32768x2048xf32, #tpu.memory_space<hbm>> -> memref<32x2048xf32, #tpu.memory_space<hbm>>
    %dma_start3A_534 = arith.constant 0 : i32
    %dma_start3A_535 = arith.constant 0 : i32
    %dma_start3A_536 = tpu.memref_slice %arg4[%dma_start3A_534, %dma_start3A_535] : memref<56x2048xf32, #tpu.memory_space<vmem>> -> memref<32x2048xf32, #tpu.memory_space<vmem>>
    tpu.enqueue_dma source(%dma_start3A_536 : memref<32x2048xf32, #tpu.memory_space<vmem>>) target(%dma_start3A_533 : memref<32x2048xf32, #tpu.memory_space<hbm>>) target_semaphore(%arg6 : memref<!tpu.dma_semaphore, #tpu.memory_space<semaphore_mem>>)
    %add3A_537 = arith.constant 24576 : i32
    %add3A_538 = arith.addi %add3A_537, %mul3A_2 : i32
    %add3A_539 = arith.constant 224 : i32
    %add3A_540 = arith.addi %add3A_538, %add3A_539 : i32
    %dma_start3A_541 = arith.constant 0 : i32
    %dma_start3A_542 = arith.constant 0 : i32
    %dma_start3A_543 = tpu.memref_slice %arg4[%dma_start3A_541, %dma_start3A_542] : memref<56x2048xf32, #tpu.memory_space<vmem>> -> memref<32x2048xf32, #tpu.memory_space<vmem>>
    %dma_start3A_544 = arith.constant 0 : i32
    %dma_start3A_545 = tpu.memref_slice %arg3[%add3A_540, %dma_start3A_544] : memref<32768x2048xf32, #tpu.memory_space<hbm>> -> memref<32x2048xf32, #tpu.memory_space<hbm>>
    %dma_start3A_546 = arith.constant 0 : i32
    %dma_start3A_547 = tpu.memref_slice %arg3[%add3A_540, %dma_start3A_546] : memref<32768x2048xf32, #tpu.memory_space<hbm>> -> memref<32x2048xf32, #tpu.memory_space<hbm>>
    %dma_start3A_548 = arith.constant 0 : i32
    %dma_start3A_549 = arith.constant 0 : i32
    %dma_start3A_550 = tpu.memref_slice %arg4[%dma_start3A_548, %dma_start3A_549] : memref<56x2048xf32, #tpu.memory_space<vmem>> -> memref<32x2048xf32, #tpu.memory_space<vmem>>
    tpu.enqueue_dma source(%dma_start3A_550 : memref<32x2048xf32, #tpu.memory_space<vmem>>) target(%dma_start3A_547 : memref<32x2048xf32, #tpu.memory_space<hbm>>) target_semaphore(%arg6 : memref<!tpu.dma_semaphore, #tpu.memory_space<semaphore_mem>>)
    %dma_wait3A_551 = arith.constant 0 : i32
    %dma_wait3A_552 = arith.constant 0 : i32
    %dma_wait3A_553 = tpu.memref_slice %arg4[%dma_wait3A_551, %dma_wait3A_552] : memref<56x2048xf32, #tpu.memory_space<vmem>> -> memref<32x2048xf32, #tpu.memory_space<vmem>>
    %dma_wait3A_554 = arith.constant 0 : i32
    %dma_wait3A_555 = tpu.memref_slice %arg3[%add3A_498, %dma_wait3A_554] : memref<32768x2048xf32, #tpu.memory_space<hbm>> -> memref<32x2048xf32, #tpu.memory_space<hbm>>
    %dma_wait3A_556 = arith.constant 0 : i32
    %dma_wait3A_557 = tpu.memref_slice %arg3[%add3A_498, %dma_wait3A_556] : memref<32768x2048xf32, #tpu.memory_space<hbm>> -> memref<32x2048xf32, #tpu.memory_space<hbm>>
    %dma_wait3A_558 = arith.constant 0 : i32
    %dma_wait3A_559 = arith.constant 0 : i32
    %dma_wait3A_560 = tpu.memref_slice %arg4[%dma_wait3A_558, %dma_wait3A_559] : memref<56x2048xf32, #tpu.memory_space<vmem>> -> memref<32x2048xf32, #tpu.memory_space<vmem>>
    tpu.wait_dma2 semaphore(%arg6 : memref<!tpu.dma_semaphore, #tpu.memory_space<semaphore_mem>>) src(%dma_wait3A_560 : memref<32x2048xf32, #tpu.memory_space<vmem>>) dst(%dma_wait3A_557 : memref<32x2048xf32, #tpu.memory_space<hbm>>)
    %dma_wait3A_561 = arith.constant 0 : i32
    %dma_wait3A_562 = arith.constant 0 : i32
    %dma_wait3A_563 = tpu.memref_slice %arg4[%dma_wait3A_561, %dma_wait3A_562] : memref<56x2048xf32, #tpu.memory_space<vmem>> -> memref<32x2048xf32, #tpu.memory_space<vmem>>
    %dma_wait3A_564 = arith.constant 0 : i32
    %dma_wait3A_565 = tpu.memref_slice %arg3[%add3A_512, %dma_wait3A_564] : memref<32768x2048xf32, #tpu.memory_space<hbm>> -> memref<32x2048xf32, #tpu.memory_space<hbm>>
    %dma_wait3A_566 = arith.constant 0 : i32
    %dma_wait3A_567 = tpu.memref_slice %arg3[%add3A_512, %dma_wait3A_566] : memref<32768x2048xf32, #tpu.memory_space<hbm>> -> memref<32x2048xf32, #tpu.memory_space<hbm>>
    %dma_wait3A_568 = arith.constant 0 : i32
    %dma_wait3A_569 = arith.constant 0 : i32
    %dma_wait3A_570 = tpu.memref_slice %arg4[%dma_wait3A_568, %dma_wait3A_569] : memref<56x2048xf32, #tpu.memory_space<vmem>> -> memref<32x2048xf32, #tpu.memory_space<vmem>>
    tpu.wait_dma2 semaphore(%arg6 : memref<!tpu.dma_semaphore, #tpu.memory_space<semaphore_mem>>) src(%dma_wait3A_570 : memref<32x2048xf32, #tpu.memory_space<vmem>>) dst(%dma_wait3A_567 : memref<32x2048xf32, #tpu.memory_space<hbm>>)
    %dma_wait3A_571 = arith.constant 0 : i32
    %dma_wait3A_572 = arith.constant 0 : i32
    %dma_wait3A_573 = tpu.memref_slice %arg4[%dma_wait3A_571, %dma_wait3A_572] : memref<56x2048xf32, #tpu.memory_space<vmem>> -> memref<32x2048xf32, #tpu.memory_space<vmem>>
    %dma_wait3A_574 = arith.constant 0 : i32
    %dma_wait3A_575 = tpu.memref_slice %arg3[%add3A_526, %dma_wait3A_574] : memref<32768x2048xf32, #tpu.memory_space<hbm>> -> memref<32x2048xf32, #tpu.memory_space<hbm>>
    %dma_wait3A_576 = arith.constant 0 : i32
    %dma_wait3A_577 = tpu.memref_slice %arg3[%add3A_526, %dma_wait3A_576] : memref<32768x2048xf32, #tpu.memory_space<hbm>> -> memref<32x2048xf32, #tpu.memory_space<hbm>>
    %dma_wait3A_578 = arith.constant 0 : i32
    %dma_wait3A_579 = arith.constant 0 : i32
    %dma_wait3A_580 = tpu.memref_slice %arg4[%dma_wait3A_578, %dma_wait3A_579] : memref<56x2048xf32, #tpu.memory_space<vmem>> -> memref<32x2048xf32, #tpu.memory_space<vmem>>
    tpu.wait_dma2 semaphore(%arg6 : memref<!tpu.dma_semaphore, #tpu.memory_space<semaphore_mem>>) src(%dma_wait3A_580 : memref<32x2048xf32, #tpu.memory_space<vmem>>) dst(%dma_wait3A_577 : memref<32x2048xf32, #tpu.memory_space<hbm>>)
    %dma_wait3A_581 = arith.constant 0 : i32
    %dma_wait3A_582 = arith.constant 0 : i32
    %dma_wait3A_583 = tpu.memref_slice %arg4[%dma_wait3A_581, %dma_wait3A_582] : memref<56x2048xf32, #tpu.memory_space<vmem>> -> memref<32x2048xf32, #tpu.memory_space<vmem>>
    %dma_wait3A_584 = arith.constant 0 : i32
    %dma_wait3A_585 = tpu.memref_slice %arg3[%add3A_540, %dma_wait3A_584] : memref<32768x2048xf32, #tpu.memory_space<hbm>> -> memref<32x2048xf32, #tpu.memory_space<hbm>>
    %dma_wait3A_586 = arith.constant 0 : i32
    %dma_wait3A_587 = tpu.memref_slice %arg3[%add3A_540, %dma_wait3A_586] : memref<32768x2048xf32, #tpu.memory_space<hbm>> -> memref<32x2048xf32, #tpu.memory_space<hbm>>
    %dma_wait3A_588 = arith.constant 0 : i32
    %dma_wait3A_589 = arith.constant 0 : i32
    %dma_wait3A_590 = tpu.memref_slice %arg4[%dma_wait3A_588, %dma_wait3A_589] : memref<56x2048xf32, #tpu.memory_space<vmem>> -> memref<32x2048xf32, #tpu.memory_space<vmem>>
    tpu.wait_dma2 semaphore(%arg6 : memref<!tpu.dma_semaphore, #tpu.memory_space<semaphore_mem>>) src(%dma_wait3A_590 : memref<32x2048xf32, #tpu.memory_space<vmem>>) dst(%dma_wait3A_587 : memref<32x2048xf32, #tpu.memory_space<hbm>>)
    return
  }
}

</mosaic_0001>

<sc_bundles>
// kernel: kernel.3.cloned.1.call-start
scs
__scs_entry_jumppad:
0x0: {  	(pc) =	sbr.rel $0x88, $3  }
0x1: {  	(tag) =	ssettag $0x0;
	lr =	simm.s32 $0x1  }
0x2: {  	[smem:$0x3FA0] =	sst lr;
	_ =	strace $0xD0000000  }
0x3: {  	_ = 	snop  }
0x4: {  	_ = 	snop  }
0x5: {  	_ = 	snop  }
0x6: {  	_ = 	snop  }
0x7: {  	_ = 	snop  }
__scs_overlays_trampoline_lowered:
0x8: {  	[smem:$0x3FAF] =	sst s0  }
0x9: {  	[smem:$0x3FB0] =	sst s1  }
0xa: {  	[smem:$0x3FB1] =	sst s2  }
0xb: {  	[smem:$0x3FB2] =	sst s3  }
0xc: {  	[smem:$0x3FB3] =	sst s4  }
0xd: {  	[smem:$0x3FB4] =	sst s5  }
0xe: {  	[smem:$0x3FB5] =	sst s6  }
0xf: {  	[smem:$0x3FB6] =	sst s7  }
0x10: {  	[smem:$0x3FB7] =	sst s8  }
0x11: {  	[smem:$0x3FB8] =	sst s9;
	s0 =	simm.s32 @!p0 $0x0  }
0x12: {  	s1 =	sld [smem:$0x3F9E];
	s0 =	simm.s32 @p0 $0x1  }
0x13: {  	[smem:$0x3FB9] =	sst s0;
	s0 =	simm.s32 @!p1 $0x0  }
0x14: {  	s2 =	sld [smem:$0x3F9D];
	s0 =	simm.s32 @p1 $0x1  }
0x15: {  	[smem:$0x3FBA] =	sst s0;
	s0 =	simm.s32 @!p2 $0x0  }
0x16: {  	s3 =	sld [smem:$0x3FDB];
	s0 =	simm.s32 @p2 $0x1  }
0x17: {  	s4 =	simm.s32 $0x1BF5;
	[smem:$0x3FBC] =	sst s0  }
0x18: {  	s0 =	sld [smem:$0x3F9F];
	_ =	swait.ge [sflag:s4], $0x0  }
0x19: {  	s7 =	sld [smem:$0x3FA0]  }
0x1a: {  	s8 =	sadd.s32 $0xFFFFE003, lr  }
0x1b: {  	s9 =	sadd.s32 $0xFFFFFEF7, lr;
	s5 =	simm.s32 $0xFFFFFFFF;
	p2 =	slt.u32 s8, $0xFFFFF086  }
0x1c: {  	p1 =	slt.u32 s9, $0xF7A;
	s5 =	simm.s32 @!p2 $0x0  }
0x1d: {  	s5 =	simm.s32 @p1 $0x1;
	p0 =	seq.s32 s7, s2  }
0x1e: {  	s7 =	smul.u32 @!p0 $0xF7A, s2;
	p2 =	seq.s32 @!p0 s5, $0x0  }
0x1f: {  	s9 =	smul.u32 $0xF7A, s1;
	s8 =	simm.s32 @!p0 $0x1BF5;
	p2 =	por !p2, p0  }
0x20: {  	[sflag:s8] =	ssyncset.s32 @!p0 $0xFFFFF086;
	s6 =	sadd.s32 @!p0 s3, s7;
	s7 =	simm.s32 @!p0 $0x108  }
0x21: {  	s3 =	sadd.s32 s3, s9;
	s6 =	sadd.s32 @!p0 $0x88, s6;
	s7 =	simm.s32 @p2 $0x1082  }
0x22: {  	[simem:s7], [sflag:s8] =	dma.local @!p0 [hbm:s6], $0xF7A  }
0x23: {  	s9 =	sor.u32 $0xD0000000, s2;
	s6 =	simm.s32 $0x108;
	_ =	swait.ge @!p0 [sflag:s8], $0x0  }
0x24: {  	s3 =	sadd.s32 $0x88, s3;
	s6 =	simm.s32 @!p1 $0x1082;
	[sflag:s4] =	ssyncset.s32 $0xFFFFF086  }
0x25: {  	[simem:s6], [sflag:s4] =	dma.local [hbm:s3], $0xF7A  }
0x26: {  	[smem:$0x3FA0] =	sst s1;
	(tag) =	ssettag s2;
	_ =	strace s9  }
0x27: {  	s1 =	sld [smem:$0x3FB0]  }
0x28: {  	s2 =	sld [smem:$0x3FB1]  }
0x29: {  	s4 =	sld [smem:$0x3FB3]  }
0x2a: {  	p0 =	seq.s32 s5, $0x0;
	s5 =	sld [smem:$0x3FB4]  }
0x2b: {  	s6 =	sld [smem:$0x3FB5]  }
0x2c: {  	s7 =	sld [smem:$0x3FB6]  }
0x2d: {  	s3 =	simm.s32 $0x108;
	s8 =	sld [smem:$0x3FB7]  }
0x2e: {  	s3 =	simm.s32 @!p0 $0x1082;
	s9 =	sld [smem:$0x3FB8]  }
0x2f: {  	lr =	sadd.s32 s0, s3;
	s0 =	sld [smem:$0x3FAF]  }
0x30: {  	s3 =	sld [smem:$0x3FB2]  }
0x31: {  	[smem:$0x3FBB] =	sst s10  }
0x32: {  	s10 =	sld [smem:$0x3FB9];
	_ =	sdelay $0x3  }
0x33: {  	p0 =	seq.s32 s10, $0x1;
	s10 =	sld [smem:$0x3FBB];
	_ =	sdelay $0x3  }
0x34: {  	[smem:$0x3FBB] =	sst s10  }
0x35: {  	s10 =	sld [smem:$0x3FBA];
	_ =	sdelay $0x3  }
0x36: {  	p1 =	seq.s32 s10, $0x1;
	s10 =	sld [smem:$0x3FBB];
	_ =	sdelay $0x3  }
0x37: {  	[smem:$0x3FBB] =	sst s10  }
0x38: {  	s10 =	sld [smem:$0x3FBC]  }
0x39: {  	_ = 	snop;
	(pc) =	sbr.ind lr, $3  }
0x3a: {  	_ = 	snop  }
0x3b: {  	_ = 	snop  }
0x3c: {  	p2 =	seq.s32 s10, $0x1;
	s10 =	sld [smem:$0x3FBB]  }
0x3d: {  	_ =	shalt  }
0x3e: {  	_ =	shalt  }
0x3f: {  	_ =	shalt  }
0x40: {  	_ =	shalt  }
0x41: {  	_ =	shalt  }
0x42: {  	_ =	shalt  }
0x43: {  	_ =	shalt  }
0x44: {  	_ =	shalt  }
0x45: {  	_ =	shalt  }
0x46: {  	_ =	shalt  }
0x47: {  	_ =	shalt  }
0x48: {  	_ =	shalt  }
0x49: {  	_ =	shalt  }
0x4a: {  	_ =	shalt  }
0x4b: {  	_ =	shalt  }
0x4c: {  	_ =	shalt  }
0x4d: {  	_ =	shalt  }
0x4e: {  	_ =	shalt  }
0x4f: {  	_ =	shalt  }
0x50: {  	_ =	shalt  }
0x51: {  	_ =	shalt  }
0x52: {  	_ =	shalt  }
0x53: {  	_ =	shalt  }
0x54: {  	_ =	shalt  }
0x55: {  	_ =	shalt  }
0x56: {  	_ =	shalt  }
0x57: {  	_ =	shalt  }
0x58: {  	_ =	shalt  }
0x59: {  	_ =	shalt  }
0x5a: {  	_ =	shalt  }
0x5b: {  	_ =	shalt  }
0x5c: {  	_ =	shalt  }
0x5d: {  	_ =	shalt  }
0x5e: {  	_ =	shalt  }
0x5f: {  	_ =	shalt  }
0x60: {  	_ =	shalt  }
0x61: {  	_ =	shalt  }
0x62: {  	_ =	shalt  }
0x63: {  	_ =	shalt  }
0x64: {  	_ =	shalt  }
0x65: {  	_ =	shalt  }
0x66: {  	_ =	shalt  }
0x67: {  	_ =	shalt  }
0x68: {  	_ =	shalt  }
0x69: {  	_ =	shalt  }
0x6a: {  	_ =	shalt  }
0x6b: {  	_ =	shalt  }
0x6c: {  	_ =	shalt  }
0x6d: {  	_ =	shalt  }
0x6e: {  	_ =	shalt  }
0x6f: {  	_ =	shalt  }
0x70: {  	_ =	shalt  }
0x71: {  	_ =	shalt  }
0x72: {  	_ =	shalt  }
0x73: {  	_ =	shalt  }
0x74: {  	_ =	shalt  }
0x75: {  	_ =	shalt  }
0x76: {  	_ =	shalt  }
0x77: {  	_ =	shalt  }
0x78: {  	_ =	shalt  }
0x79: {  	_ =	shalt  }
0x7a: {  	_ =	shalt  }
0x7b: {  	_ =	shalt  }
0x7c: {  	_ =	shalt  }
0x7d: {  	_ =	shalt  }
0x7e: {  	_ =	shalt  }
0x7f: {  	_ =	shalt  }
0x80: {  	_ =	shalt  }
0x81: {  	_ =	shalt  }
0x82: {  	_ =	shalt  }
0x83: {  	_ =	shalt  }
0x84: {  	_ =	shalt  }
0x85: {  	_ =	shalt  }
0x86: {  	_ =	shalt  }
0x87: {  	_ =	shalt  }
.Lfunc_end0:
.L_simem_size_0:
called_computation_lowered:
.L_overlay_start_0:
0x88: {  	s2 =	sld [smem:$0x3FD9]  }
0x89: {  	s3 =	sld [smem:$0x3FFE];
	_ =	sdelay $0x1  }
0x8a: {  	s1 =	srdreg.scid  }
0x8b: {  	s0 =	sand.u32 $0x1, s1  }
0x8c: {  	s18 =	sshll.u32 s0, $0xA;
	s2 =	sadd.s32 s3, s2  }
0x8d: {  	s2 =	sadd.s32 s2, s18  }
0x8e: {  	[smem:$0x3FC7] =	sst s2  }
0x8f: {  	_ = 	snop  }
0x90: {  	s2 =	sld [smem:$0x3FC9]  }
0x91: {  	s19 =	sld [smem:$0x3FD0];
	(tm) =	ssettm $0x1  }
0x92: {  	s4 =	sld [smem:$0x3FFB];
	_ =	sdelay $0x3  }
0x93: {  	_ =	strace s4  }
0x94: {  	s4 =	sld [smem:$0x3FFC];
	_ =	sdelay $0x3  }
0x95: {  	_ =	strace s4  }
0x96: {  	s4 =	sld [smem:$0x3FFD];
	_ =	sdelay $0x3  }
0x97: {  	_ =	strace s4  }
0x98: {  	_ =	strace $0x8FFFFFFF  }
0x99: {  	s20 =	sld [smem:$0x3FDB];
	_ =	sdelay $0x1  }
0x9a: {  	s5 =	simm.s32 $_scs_section_size  }
0x9b: {  	s6 =	simm.s32 $_size__tile_overlayer_lowered;
	s7 =	simm.s32 $_tile_overlayer_lowered  }
0x9c: {  	s23 =	simm.s32 $0x1BFF;
	s22 =	sshll.u32 s7, $0x1;
	s4 =	sadd.s32 s5, s20  }
0x9d: {  	s8 =	simm.s32 $0x0;
	s21 =	sshll.u32 s6, $0x1;
	s6 =	sadd.s32 s22, s4  }
0x9e: {  	[timem:s8], [sflag:s23] =	dma.local [hbm:s6], s21  }
0x9f: {  	_ =	swait.ge [sflag:s23], s21  }
0xa0: {  	s5 =	ssub.s32 $0x0, s21;
	[sflag:s23] =	ssyncset.done $0x0  }
0xa1: {  	[sflag:s23] =	ssyncadd.s32 s5;
	_ =	sdelay $0x1  }
0xa2: {  	s24 =	simm.s32 $0x1B8B  }
0xa3: {  	_ =	swait.ge [sflag:s24], $0x1  }
0xa4: {  	[sflag:s24] =	ssyncset.done $0x0  }
0xa5: {  	s25 =	simm.s32 $0x1B8E;
	[sflag:s24] =	ssyncadd.s32 $0xFFFFFFFF  }
0xa6: {  	s26 =	simm.s32 $execute0_lowered;
	[smem:$0x3FD2] =	sst s25  }
0xa7: {  	s5 =	sshll.u32 s26, $0x1;
	_ =	strace $0x80000046;
	[dreg:$0x1] =	wrdreg $0xFFFFFFFF  }
0xa8: {  	s28 =	simm.s32 $_size_execute0_lowered;
	s4 =	sadd.s32 s4, s5;
	[dreg:$0x0] =	wrdreg $0x0  }
0xa9: {  	s5 =	sshll.u32 s28, $0x1;
	[dreg:$0x2] =	wrdreg s4  }
0xaa: {  	[dreg:$0x3] =	wrdreg s5  }
0xab: {  	[dreg:$0x4] =	wrdreg $0xC0  }
0xac: {  	_ =	task [dreg:s8], $0x5FFFF  }
0xad: {  	[dreg:$0x1] =	wrdreg $0xFFFFFFFF  }
0xae: {  	[dreg:$0x0] =	wrdreg $0x60  }
0xaf: {  	[dreg:$0x2] =	wrdreg s2  }
0xb0: {  	[dreg:$0x3] =	wrdreg s19  }
0xb1: {  	[dreg:$0x4] =	wrdreg $0x9  }
0xb2: {  	_ =	task.clear_ibuf [dreg:s8], $0x5FFFF;
	_ =	strace $0x90000046  }
0xb3: {  	s29 =	simm.s32 $0x9;
	_ =	strace $0x80000048  }
0xb4: {  	_ =	swait.ge [sflag:s29], $0x1  }
0xb5: {  	[sflag:s29] =	ssyncadd.s32 $0xFFFFFFFF  }
0xb6: {  	_ =	strace $0x90000048  }
0xb7: {  	_ =	sfence  }
0xb8: {  	s30 =	sld [smem:$0x0];
	_ =	sdelay $0x2  }
0xb9: {  	s31 =	sshll.u32 s1, $0xD;
	s1 =	sshrl.u32 s1, $0x2  }
0xba: {  	s3 =	sand.u32 $0x4000, s31;
	s1 =	sadd.s32 s1, s30  }
0xbb: {  	s0 =	sor.u32 s3, s0;
	s1 =	sshll.u32 s1, $0x11  }
0xbc: {  	s0 =	sor.u32 s1, s0  }
0xbd: {  	s0 =	sadd.s32 $0x8F2B, s0  }
0xbe: {  	[sflag:s0] =	ssyncadd.remote.s32 $0x1  }
0xbf: {  	_ =	sfence.sel $0xFFFF  }
0xc0: {  	[dreg:$0x0] =	wrdreg $0xFFFFFFFF;
	(pc) =	sbr.abs _section_cstart, $3  }
0xc1: {  	[dreg:$0x1] =	wrdreg $0xFFFFFFFF  }
0xc2: {  	_ =	task.clear_ibuf [dreg:s8], $0x2FFFF;
	_ =	strace $0x9FFFFFFF  }
0xc3: {  	(tm) =	ssettm $0x7FFFFFFF  }
tec
execute0_lowered:
.L_overlay_start_1:
0x0: {  	(tag) =	ssettag $0x1  }
0x1: {  	s25 =	rddreg [dreg:$0x0];
	s2 =	srdreg.scid  }
0x2: {  	s26 =	rddreg [dreg:$0x1];
	s1 =	stileid.u32;
	s31 =	sand.u32 $0x1, s2  }
0x3: {  	s2 =	simm.s32 $0x0;
	s3 =	sshll.u32 s1, $0x11;
	s4 =	sshll.u32 s31, $0x10  }
0x4: {  	[smem:$0x7FF] =	sst s2;
	s28 =	sor.u32 s4, s3  }
0x5: {  	_ =	strace $0x80000047;
	s4 =	simm.s32 $0x1;
	s3 =	sadd.s32 s25, s28  }
0x6: {  	[tilespmem:s2], [sflag:$0x1] =	stream.linear.gather [hbm4b:s3+s2], $0x1C000, $0x38;
	[tilespmem:$0x1C000] =	vst v63  }
0x7: {  	_ =	swait.ge [sflag:s4], $0x1C000  }
0x8: {  	[sflag:s4] =	ssyncset.done $0x0  }
0x9: {  	s5 =	sadd.s32 s26, s28;
	[sflag:s4] =	ssyncadd.s32 $0xFFFE4000  }
0xa: {  	[hbm4b:s5+s2] =	stream.linear.scatter [tilespmem:s2], [sflag:$0x2], $0x1C000, $0x38;
	[tilespmem:$0x1C000] =	vst v63  }
0xb: {  	s6 =	sadd.s32 $0x200000, s5  }
0xc: {  	[hbm4b:s6+s2] =	stream.linear.scatter [tilespmem:s2], [sflag:$0x2], $0x1C000, $0x38;
	[tilespmem:$0x1C000] =	vst v63  }
0xd: {  	s7 =	sadd.s32 $0x400000, s5  }
0xe: {  	[hbm4b:s7+s2] =	stream.linear.scatter [tilespmem:s2], [sflag:$0x2], $0x1C000, $0x38;
	[tilespmem:$0x1C000] =	vst v63  }
0xf: {  	s8 =	simm.s32 $0x2;
	s9 =	sadd.s32 $0x600000, s5  }
0x10: {  	[hbm4b:s9+s2] =	stream.linear.scatter [tilespmem:s2], [sflag:$0x2], $0x1C000, $0x38;
	[tilespmem:$0x1C000] =	vst v63  }
0x11: {  	_ =	swait.ge [sflag:s8], $0x1C000  }
0x12: {  	[sflag:s8] =	ssyncset.done $0x0  }
0x13: {  	[sflag:s8] =	ssyncadd.s32 $0xFFFE4000  }
0x14: {  	_ =	swait.ge [sflag:s8], $0x1C000  }
0x15: {  	[sflag:s8] =	ssyncset.done $0x0  }
0x16: {  	[sflag:s8] =	ssyncadd.s32 $0xFFFE4000  }
0x17: {  	_ =	swait.ge [sflag:s8], $0x1C000  }
0x18: {  	[sflag:s8] =	ssyncset.done $0x0  }
0x19: {  	[sflag:s8] =	ssyncadd.s32 $0xFFFE4000  }
0x1a: {  	_ =	swait.ge [sflag:s8], $0x1C000  }
0x1b: {  	s11 =	sor.u32 $0x3800, s28;
	[sflag:s8] =	ssyncset.done $0x0  }
0x1c: {  	s10 =	sadd.s32 s25, s11;
	[sflag:s8] =	ssyncadd.s32 $0xFFFE4000  }
0x1d: {  	[tilespmem:s2], [sflag:$0x1] =	stream.linear.gather [hbm4b:s10+s2], $0x1C000, $0x38;
	[tilespmem:$0x1C000] =	vst v63  }
0x1e: {  	_ =	swait.ge [sflag:s4], $0x1C000  }
0x1f: {  	[sflag:s4] =	ssyncset.done $0x0  }
0x20: {  	s11 =	sadd.s32 s26, s11;
	[sflag:s4] =	ssyncadd.s32 $0xFFFE4000  }
0x21: {  	[hbm4b:s11+s2] =	stream.linear.scatter [tilespmem:s2], [sflag:$0x2], $0x1C000, $0x38;
	[tilespmem:$0x1C000] =	vst v63  }
0x22: {  	s12 =	sadd.s32 $0x203800, s5  }
0x23: {  	[hbm4b:s12+s2] =	stream.linear.scatter [tilespmem:s2], [sflag:$0x2], $0x1C000, $0x38;
	[tilespmem:$0x1C000] =	vst v63  }
0x24: {  	s13 =	sadd.s32 $0x403800, s5  }
0x25: {  	[hbm4b:s13+s2] =	stream.linear.scatter [tilespmem:s2], [sflag:$0x2], $0x1C000, $0x38;
	[tilespmem:$0x1C000] =	vst v63  }
0x26: {  	s14 =	sadd.s32 $0x603800, s5  }
0x27: {  	[hbm4b:s14+s2] =	stream.linear.scatter [tilespmem:s2], [sflag:$0x2], $0x1C000, $0x38;
	[tilespmem:$0x1C000] =	vst v63  }
0x28: {  	_ =	swait.ge [sflag:s8], $0x1C000  }
0x29: {  	[sflag:s8] =	ssyncset.done $0x0  }
0x2a: {  	[sflag:s8] =	ssyncadd.s32 $0xFFFE4000  }
0x2b: {  	_ =	swait.ge [sflag:s8], $0x1C000  }
0x2c: {  	[sflag:s8] =	ssyncset.done $0x0  }
0x2d: {  	[sflag:s8] =	ssyncadd.s32 $0xFFFE4000  }
0x2e: {  	_ =	swait.ge [sflag:s8], $0x1C000  }
0x2f: {  	[sflag:s8] =	ssyncset.done $0x0  }
0x30: {  	[sflag:s8] =	ssyncadd.s32 $0xFFFE4000  }
0x31: {  	_ =	swait.ge [sflag:s8], $0x1C000  }
0x32: {  	s16 =	sor.u32 $0x7000, s28;
	[sflag:s8] =	ssyncset.done $0x0  }
0x33: {  	s15 =	sadd.s32 s25, s16;
	[sflag:s8] =	ssyncadd.s32 $0xFFFE4000  }
0x34: {  	[tilespmem:s2], [sflag:$0x1] =	stream.linear.gather [hbm4b:s15+s2], $0x1C000, $0x38;
	[tilespmem:$0x1C000] =	vst v63  }
0x35: {  	_ =	swait.ge [sflag:s4], $0x1C000  }
0x36: {  	[sflag:s4] =	ssyncset.done $0x0  }
0x37: {  	s16 =	sadd.s32 s26, s16;
	[sflag:s4] =	ssyncadd.s32 $0xFFFE4000  }
0x38: {  	[hbm4b:s16+s2] =	stream.linear.scatter [tilespmem:s2], [sflag:$0x2], $0x1C000, $0x38;
	[tilespmem:$0x1C000] =	vst v63  }
0x39: {  	s17 =	sadd.s32 $0x207000, s5  }
0x3a: {  	[hbm4b:s17+s2] =	stream.linear.scatter [tilespmem:s2], [sflag:$0x2], $0x1C000, $0x38;
	[tilespmem:$0x1C000] =	vst v63  }
0x3b: {  	s18 =	sadd.s32 $0x407000, s5  }
0x3c: {  	[hbm4b:s18+s2] =	stream.linear.scatter [tilespmem:s2], [sflag:$0x2], $0x1C000, $0x38;
	[tilespmem:$0x1C000] =	vst v63  }
0x3d: {  	s19 =	sadd.s32 $0x607000, s5  }
0x3e: {  	[hbm4b:s19+s2] =	stream.linear.scatter [tilespmem:s2], [sflag:$0x2], $0x1C000, $0x38;
	[tilespmem:$0x1C000] =	vst v63  }
0x3f: {  	_ =	swait.ge [sflag:s8], $0x1C000  }
0x40: {  	[sflag:s8] =	ssyncset.done $0x0  }
0x41: {  	[sflag:s8] =	ssyncadd.s32 $0xFFFE4000  }
0x42: {  	_ =	swait.ge [sflag:s8], $0x1C000  }
0x43: {  	[sflag:s8] =	ssyncset.done $0x0  }
0x44: {  	[sflag:s8] =	ssyncadd.s32 $0xFFFE4000  }
0x45: {  	_ =	swait.ge [sflag:s8], $0x1C000  }
0x46: {  	[sflag:s8] =	ssyncset.done $0x0  }
0x47: {  	[sflag:s8] =	ssyncadd.s32 $0xFFFE4000  }
0x48: {  	_ =	swait.ge [sflag:s8], $0x1C000  }
0x49: {  	s21 =	sor.u32 $0xA800, s28;
	[sflag:s8] =	ssyncset.done $0x0  }
0x4a: {  	s20 =	sadd.s32 s25, s21;
	[sflag:s8] =	ssyncadd.s32 $0xFFFE4000  }
0x4b: {  	[tilespmem:s2], [sflag:$0x1] =	stream.linear.gather [hbm4b:s20+s2], $0x1C000, $0x38;
	[tilespmem:$0x1C000] =	vst v63  }
0x4c: {  	_ =	swait.ge [sflag:s4], $0x1C000  }
0x4d: {  	[sflag:s4] =	ssyncset.done $0x0  }
0x4e: {  	s21 =	sadd.s32 s26, s21;
	[sflag:s4] =	ssyncadd.s32 $0xFFFE4000  }
0x4f: {  	[hbm4b:s21+s2] =	stream.linear.scatter [tilespmem:s2], [sflag:$0x2], $0x1C000, $0x38;
	[tilespmem:$0x1C000] =	vst v63  }
0x50: {  	s22 =	sadd.s32 $0x20A800, s5  }
0x51: {  	[hbm4b:s22+s2] =	stream.linear.scatter [tilespmem:s2], [sflag:$0x2], $0x1C000, $0x38;
	[tilespmem:$0x1C000] =	vst v63  }
0x52: {  	s23 =	sadd.s32 $0x40A800, s5  }
0x53: {  	[hbm4b:s23+s2] =	stream.linear.scatter [tilespmem:s2], [sflag:$0x2], $0x1C000, $0x38;
	[tilespmem:$0x1C000] =	vst v63  }
0x54: {  	s24 =	sadd.s32 $0x60A800, s5  }
0x55: {  	[hbm4b:s24+s2] =	stream.linear.scatter [tilespmem:s2], [sflag:$0x2], $0x1C000, $0x38;
	[tilespmem:$0x1C000] =	vst v63  }
0x56: {  	_ =	swait.ge [sflag:s8], $0x1C000  }
0x57: {  	[sflag:s8] =	ssyncset.done $0x0  }
0x58: {  	[sflag:s8] =	ssyncadd.s32 $0xFFFE4000  }
0x59: {  	_ =	swait.ge [sflag:s8], $0x1C000  }
0x5a: {  	[sflag:s8] =	ssyncset.done $0x0  }
0x5b: {  	[sflag:s8] =	ssyncadd.s32 $0xFFFE4000  }
0x5c: {  	_ =	swait.ge [sflag:s8], $0x1C000  }
0x5d: {  	[sflag:s8] =	ssyncset.done $0x0  }
0x5e: {  	[sflag:s8] =	ssyncadd.s32 $0xFFFE4000  }
0x5f: {  	_ =	swait.ge [sflag:s8], $0x1C000  }
0x60: {  	s28 =	sor.u32 $0xE000, s28;
	[sflag:s8] =	ssyncset.done $0x0  }
0x61: {  	s25 =	sadd.s32 s25, s28;
	[sflag:s8] =	ssyncadd.s32 $0xFFFE4000  }
0x62: {  	[tilespmem:s2], [sflag:$0x1] =	stream.linear.gather [hbm4b:s25+s2], $0x10000, $0x38;
	[tilespmem:$0x1C000] =	vst v63  }
0x63: {  	_ =	swait.ge [sflag:s4], $0x10000  }
0x64: {  	[sflag:s4] =	ssyncset.done $0x0  }
0x65: {  	s26 =	sadd.s32 s26, s28;
	[sflag:s4] =	ssyncadd.s32 $0xFFFF0000  }
0x66: {  	[hbm4b:s26+s2] =	stream.linear.scatter [tilespmem:s2], [sflag:$0x2], $0x10000, $0x38;
	[tilespmem:$0x1C000] =	vst v63  }
0x67: {  	s28 =	sadd.s32 $0x20E000, s5  }
0x68: {  	[hbm4b:s28+s2] =	stream.linear.scatter [tilespmem:s2], [sflag:$0x2], $0x10000, $0x38;
	[tilespmem:$0x1C000] =	vst v63  }
0x69: {  	s29 =	sadd.s32 $0x40E000, s5  }
0x6a: {  	[hbm4b:s29+s2] =	stream.linear.scatter [tilespmem:s2], [sflag:$0x2], $0x10000, $0x38;
	[tilespmem:$0x1C000] =	vst v63  }
0x6b: {  	s30 =	sadd.s32 $0x60E000, s5  }
0x6c: {  	[hbm4b:s30+s2] =	stream.linear.scatter [tilespmem:s2], [sflag:$0x2], $0x10000, $0x38;
	[tilespmem:$0x1C000] =	vst v63  }
0x6d: {  	_ =	swait.ge [sflag:s8], $0x10000  }
0x6e: {  	s31 =	ssub.s32 $0x2, s31;
	[sflag:s8] =	ssyncset.done $0x0  }
0x6f: {  	s0 =	sshrl.u32 s31, $0x1;
	[sflag:s8] =	ssyncadd.s32 $0xFFFF0000  }
0x70: {  	s0 =	ssub.s32 s31, s0;
	_ =	swait.ge [sflag:s8], $0x10000  }
0x71: {  	s0 =	smax.u32 s0, $0x1;
	[sflag:s8] =	ssyncset.done $0x0  }
0x72: {  	p0 =	sne.s32 s0, $0x1;
	[sflag:s8] =	ssyncadd.s32 $0xFFFF0000  }
.Ltmp0:
0x73: {  	_ =	swait.ge [sflag:s8], $0x10000;
	(pc) =	sbr.rel @!p0 .LBB2_2-.Ltmp0, $4  }
0x74: {  	[sflag:s8] =	ssyncset.done $0x0  }
0x75: {  	[sflag:s8] =	ssyncadd.s32 $0xFFFF0000  }
0x76: {  	_ =	swait.ge [sflag:s8], $0x10000  }
0x77: {  	s31 =	sadd.s32 $0xFFFFFFFF, s0;
	[sflag:s8] =	ssyncset.done $0x0  }
.LBB2_1:
0x78: {  	p0 =	sne.s32 s31, $0x1;
	s31 =	sadd.s32 $0xFFFFFFFF, s31;
	[sflag:s8] =	ssyncadd.s32 $0xFFFF0000  }
0x79: {  	[tilespmem:s2], [sflag:$0x1] =	stream.linear.gather [hbm4b:s3+s2], $0x1C000, $0x38;
	[tilespmem:$0x1C000] =	vst v63  }
0x7a: {  	_ =	swait.ge [sflag:s4], $0x1C000  }
0x7b: {  	[sflag:s4] =	ssyncset.done $0x0  }
0x7c: {  	[sflag:s4] =	ssyncadd.s32 $0xFFFE4000  }
0x7d: {  	[hbm4b:s5+s2] =	stream.linear.scatter [tilespmem:s2], [sflag:$0x2], $0x1C000, $0x38;
	[tilespmem:$0x1C000] =	vst v63  }
0x7e: {  	_ = 	snop  }
0x7f: {  	[hbm4b:s6+s2] =	stream.linear.scatter [tilespmem:s2], [sflag:$0x2], $0x1C000, $0x38;
	[tilespmem:$0x1C000] =	vst v63  }
0x80: {  	_ = 	snop  }
0x81: {  	[hbm4b:s7+s2] =	stream.linear.scatter [tilespmem:s2], [sflag:$0x2], $0x1C000, $0x38;
	[tilespmem:$0x1C000] =	vst v63  }
0x82: {  	_ = 	snop  }
0x83: {  	[hbm4b:s9+s2] =	stream.linear.scatter [tilespmem:s2], [sflag:$0x2], $0x1C000, $0x38;
	[tilespmem:$0x1C000] =	vst v63  }
0x84: {  	_ =	swait.ge [sflag:s8], $0x1C000  }
0x85: {  	[sflag:s8] =	ssyncset.done $0x0  }
0x86: {  	[sflag:s8] =	ssyncadd.s32 $0xFFFE4000  }
0x87: {  	_ =	swait.ge [sflag:s8], $0x1C000  }
0x88: {  	[sflag:s8] =	ssyncset.done $0x0  }
0x89: {  	[sflag:s8] =	ssyncadd.s32 $0xFFFE4000  }
0x8a: {  	_ =	swait.ge [sflag:s8], $0x1C000  }
0x8b: {  	[sflag:s8] =	ssyncset.done $0x0  }
0x8c: {  	[sflag:s8] =	ssyncadd.s32 $0xFFFE4000  }
0x8d: {  	_ =	swait.ge [sflag:s8], $0x1C000  }
0x8e: {  	[sflag:s8] =	ssyncset.done $0x0  }
0x8f: {  	[sflag:s8] =	ssyncadd.s32 $0xFFFE4000  }
0x90: {  	[tilespmem:s2], [sflag:$0x1] =	stream.linear.gather [hbm4b:s10+s2], $0x1C000, $0x38;
	[tilespmem:$0x1C000] =	vst v63  }
0x91: {  	_ =	swait.ge [sflag:s4], $0x1C000  }
0x92: {  	[sflag:s4] =	ssyncset.done $0x0  }
0x93: {  	[sflag:s4] =	ssyncadd.s32 $0xFFFE4000  }
0x94: {  	[hbm4b:s11+s2] =	stream.linear.scatter [tilespmem:s2], [sflag:$0x2], $0x1C000, $0x38;
	[tilespmem:$0x1C000] =	vst v63  }
0x95: {  	_ = 	snop  }
0x96: {  	[hbm4b:s12+s2] =	stream.linear.scatter [tilespmem:s2], [sflag:$0x2], $0x1C000, $0x38;
	[tilespmem:$0x1C000] =	vst v63  }
0x97: {  	_ = 	snop  }
0x98: {  	[hbm4b:s13+s2] =	stream.linear.scatter [tilespmem:s2], [sflag:$0x2], $0x1C000, $0x38;
	[tilespmem:$0x1C000] =	vst v63  }
0x99: {  	_ = 	snop  }
0x9a: {  	[hbm4b:s14+s2] =	stream.linear.scatter [tilespmem:s2], [sflag:$0x2], $0x1C000, $0x38;
	[tilespmem:$0x1C000] =	vst v63  }
0x9b: {  	_ =	swait.ge [sflag:s8], $0x1C000  }
0x9c: {  	[sflag:s8] =	ssyncset.done $0x0  }
0x9d: {  	[sflag:s8] =	ssyncadd.s32 $0xFFFE4000  }
0x9e: {  	_ =	swait.ge [sflag:s8], $0x1C000  }
0x9f: {  	[sflag:s8] =	ssyncset.done $0x0  }
0xa0: {  	[sflag:s8] =	ssyncadd.s32 $0xFFFE4000  }
0xa1: {  	_ =	swait.ge [sflag:s8], $0x1C000  }
0xa2: {  	[sflag:s8] =	ssyncset.done $0x0  }
0xa3: {  	[sflag:s8] =	ssyncadd.s32 $0xFFFE4000  }
0xa4: {  	_ =	swait.ge [sflag:s8], $0x1C000  }
0xa5: {  	[sflag:s8] =	ssyncset.done $0x0  }
0xa6: {  	[sflag:s8] =	ssyncadd.s32 $0xFFFE4000  }
0xa7: {  	[tilespmem:s2], [sflag:$0x1] =	stream.linear.gather [hbm4b:s15+s2], $0x1C000, $0x38;
	[tilespmem:$0x1C000] =	vst v63  }
0xa8: {  	_ =	swait.ge [sflag:s4], $0x1C000  }
0xa9: {  	[sflag:s4] =	ssyncset.done $0x0  }
0xaa: {  	[sflag:s4] =	ssyncadd.s32 $0xFFFE4000  }
0xab: {  	[hbm4b:s16+s2] =	stream.linear.scatter [tilespmem:s2], [sflag:$0x2], $0x1C000, $0x38;
	[tilespmem:$0x1C000] =	vst v63  }
0xac: {  	_ = 	snop  }
0xad: {  	[hbm4b:s17+s2] =	stream.linear.scatter [tilespmem:s2], [sflag:$0x2], $0x1C000, $0x38;
	[tilespmem:$0x1C000] =	vst v63  }
0xae: {  	_ = 	snop  }
0xaf: {  	[hbm4b:s18+s2] =	stream.linear.scatter [tilespmem:s2], [sflag:$0x2], $0x1C000, $0x38;
	[tilespmem:$0x1C000] =	vst v63  }
0xb0: {  	_ = 	snop  }
0xb1: {  	[hbm4b:s19+s2] =	stream.linear.scatter [tilespmem:s2], [sflag:$0x2], $0x1C000, $0x38;
	[tilespmem:$0x1C000] =	vst v63  }
0xb2: {  	_ =	swait.ge [sflag:s8], $0x1C000  }
0xb3: {  	[sflag:s8] =	ssyncset.done $0x0  }
0xb4: {  	[sflag:s8] =	ssyncadd.s32 $0xFFFE4000  }
0xb5: {  	_ =	swait.ge [sflag:s8], $0x1C000  }
0xb6: {  	[sflag:s8] =	ssyncset.done $0x0  }
0xb7: {  	[sflag:s8] =	ssyncadd.s32 $0xFFFE4000  }
0xb8: {  	_ =	swait.ge [sflag:s8], $0x1C000  }
0xb9: {  	[sflag:s8] =	ssyncset.done $0x0  }
0xba: {  	[sflag:s8] =	ssyncadd.s32 $0xFFFE4000  }
0xbb: {  	_ =	swait.ge [sflag:s8], $0x1C000  }
0xbc: {  	[sflag:s8] =	ssyncset.done $0x0  }
0xbd: {  	[sflag:s8] =	ssyncadd.s32 $0xFFFE4000  }
0xbe: {  	[tilespmem:s2], [sflag:$0x1] =	stream.linear.gather [hbm4b:s20+s2], $0x1C000, $0x38;
	[tilespmem:$0x1C000] =	vst v63  }
0xbf: {  	_ =	swait.ge [sflag:s4], $0x1C000  }
0xc0: {  	[sflag:s4] =	ssyncset.done $0x0  }
0xc1: {  	[sflag:s4] =	ssyncadd.s32 $0xFFFE4000  }
0xc2: {  	[hbm4b:s21+s2] =	stream.linear.scatter [tilespmem:s2], [sflag:$0x2], $0x1C000, $0x38;
	[tilespmem:$0x1C000] =	vst v63  }
0xc3: {  	_ = 	snop  }
0xc4: {  	[hbm4b:s22+s2] =	stream.linear.scatter [tilespmem:s2], [sflag:$0x2], $0x1C000, $0x38;
	[tilespmem:$0x1C000] =	vst v63  }
0xc5: {  	_ = 	snop  }
0xc6: {  	[hbm4b:s23+s2] =	stream.linear.scatter [tilespmem:s2], [sflag:$0x2], $0x1C000, $0x38;
	[tilespmem:$0x1C000] =	vst v63  }
0xc7: {  	_ = 	snop  }
0xc8: {  	[hbm4b:s24+s2] =	stream.linear.scatter [tilespmem:s2], [sflag:$0x2], $0x1C000, $0x38;
	[tilespmem:$0x1C000] =	vst v63  }
0xc9: {  	_ =	swait.ge [sflag:s8], $0x1C000  }
0xca: {  	[sflag:s8] =	ssyncset.done $0x0  }
0xcb: {  	[sflag:s8] =	ssyncadd.s32 $0xFFFE4000  }
0xcc: {  	_ =	swait.ge [sflag:s8], $0x1C000  }
0xcd: {  	[sflag:s8] =	ssyncset.done $0x0  }
0xce: {  	[sflag:s8] =	ssyncadd.s32 $0xFFFE4000  }
0xcf: {  	_ =	swait.ge [sflag:s8], $0x1C000  }
0xd0: {  	[sflag:s8] =	ssyncset.done $0x0  }
0xd1: {  	[sflag:s8] =	ssyncadd.s32 $0xFFFE4000  }
0xd2: {  	_ =	swait.ge [sflag:s8], $0x1C000  }
0xd3: {  	[sflag:s8] =	ssyncset.done $0x0  }
0xd4: {  	[sflag:s8] =	ssyncadd.s32 $0xFFFE4000  }
0xd5: {  	[tilespmem:s2], [sflag:$0x1] =	stream.linear.gather [hbm4b:s25+s2], $0x10000, $0x38;
	[tilespmem:$0x1C000] =	vst v63  }
0xd6: {  	_ =	swait.ge [sflag:s4], $0x10000  }
0xd7: {  	[sflag:s4] =	ssyncset.done $0x0  }
0xd8: {  	[sflag:s4] =	ssyncadd.s32 $0xFFFF0000  }
0xd9: {  	[hbm4b:s26+s2] =	stream.linear.scatter [tilespmem:s2], [sflag:$0x2], $0x10000, $0x38;
	[tilespmem:$0x1C000] =	vst v63  }
0xda: {  	_ = 	snop  }
0xdb: {  	[hbm4b:s28+s2] =	stream.linear.scatter [tilespmem:s2], [sflag:$0x2], $0x10000, $0x38;
	[tilespmem:$0x1C000] =	vst v63  }
0xdc: {  	_ = 	snop  }
0xdd: {  	[hbm4b:s29+s2] =	stream.linear.scatter [tilespmem:s2], [sflag:$0x2], $0x10000, $0x38;
	[tilespmem:$0x1C000] =	vst v63  }
0xde: {  	_ = 	snop  }
0xdf: {  	[hbm4b:s30+s2] =	stream.linear.scatter [tilespmem:s2], [sflag:$0x2], $0x10000, $0x38;
	[tilespmem:$0x1C000] =	vst v63  }
0xe0: {  	_ =	swait.ge [sflag:s8], $0x10000  }
0xe1: {  	[sflag:s8] =	ssyncset.done $0x0  }
0xe2: {  	[sflag:s8] =	ssyncadd.s32 $0xFFFF0000  }
0xe3: {  	_ =	swait.ge [sflag:s8], $0x10000  }
0xe4: {  	[sflag:s8] =	ssyncset.done $0x0  }
0xe5: {  	[sflag:s8] =	ssyncadd.s32 $0xFFFF0000  }
.Ltmp1:
0xe6: {  	_ =	swait.ge [sflag:s8], $0x10000;
	(pc) =	sbr.rel @p0 .LBB2_1-.Ltmp1, $4  }
0xe7: {  	[sflag:s8] =	ssyncset.done $0x0  }
0xe8: {  	[sflag:s8] =	ssyncadd.s32 $0xFFFF0000  }
0xe9: {  	_ =	swait.ge [sflag:s8], $0x10000  }
0xea: {  	[sflag:s8] =	ssyncset.done $0x0  }
.LBB2_2:
0xeb: {  	[sflag:s8] =	ssyncadd.s32 $0xFFFF0000  }
0xec: {  	_ =	sfence.sel $0x180000  }
0xed: {  	[bflag:$0x0] =	sbarrier.arrive $0xFFFF  }
0xee: {  	_ =	strace $0x90000047  }
0xef: {  	[bflag:$0x2] =	sbarrier.arrive $0xFFFF  }
0xf0: {  	p0 =	sne.s32 s1, $0x0;
	s0 =	rddreg [dreg:$0x2]  }
0xf1: {  	s0 =	sadd.s32 @!p0 $0x100000, s0  }
0xf2: {  	[sflag:s0] =	ssyncadd.tile.s32 @!p0 $0x1;
	_ =	shalt  }
.Lfunc_end2:
_tile_overlayer_lowered:
.L_overlay_start_2:
0xf3: {  	(tag) =	ssettag $0x2  }
0xf4: {  	s0 =	rddreg [dreg:$0x0];
	s2 =	stileid.u32  }
0xf5: {  	s1 =	rddreg [dreg:$0x1];
	p0 =	sne.s32 s2, $0x0  }
0xf6: {  	s3 =	rddreg [dreg:$0x2];
	[bflag:$0x3] =	sbarrier.arrive $0xFFFF;
	s2 =	simm.s32 @!p0 $0x1C03  }
0xf7: {  	[timem:s3], [sflag:s2] =	dma.local @!p0 [hbm:s0], s1  }
0xf8: {  	s0 =	simm.s32 @!p0 $0x3  }
0xf9: {  	_ =	swait.ge @!p0 [sflag:s0], s1  }
0xfa: {  	s1 =	ssub.s32 @!p0 $0x0, s1;
	[sflag:s0] =	ssyncset.done @!p0 $0x0  }
0xfb: {  	[sflag:s0] =	ssyncadd.s32 @!p0 s1  }
0xfc: {  	[bflag:$0x3] =	sbarrier.arrive $0xFFFF  }
0xfd: {  	_ =	shalt  }

</sc_bundles>
